<compile_context>
chip_gen: v7x
topology: tpu7x:2x2x1
jax: 0.10.2.dev20260603
libtpu: 0.0.44.dev20260713+nightly
codegen_flags: <defaults>
</compile_context>

<pallas_src>
import functools

import jax
import jax.numpy as jnp
from jax import lax
from jax.experimental import pallas as pl
from jax.experimental.pallas import tpu as pltpu
from jax.experimental.pallas import tpu_sc as plsc

NEIGH = 10
EPS = 1e-5
BK = 2048
LANES = 128


_SORT16 = [(0, 1), (2, 3), (4, 5), (6, 7), (8, 9), (10, 11), (12, 13),
           (14, 15), (0, 2), (1, 3), (4, 6), (5, 7), (8, 10), (9, 11),
           (12, 14), (13, 15), (0, 4), (1, 5), (2, 6), (3, 7), (8, 12),
           (9, 13), (10, 14), (11, 15), (0, 8), (1, 9), (2, 10), (3, 11),
           (4, 12), (5, 13), (6, 14), (7, 15), (5, 10), (6, 9), (3, 12),
           (13, 14), (7, 11), (1, 2), (4, 8), (1, 4), (7, 13), (2, 8),
           (5, 6), (9, 10), (2, 4), (3, 8), (7, 12), (6, 8), (10, 12),
           (3, 5), (7, 9), (3, 4), (5, 6), (7, 8), (9, 10), (6, 7), (8, 9)]
_CLEAN10 = [(0, 5), (1, 6), (2, 7), (3, 8), (4, 9), (1, 3), (0, 4), (2, 4),
            (1, 2), (3, 4), (5, 6), (7, 8), (5, 7), (6, 8), (6, 7), (5, 9),
            (7, 9), (6, 7), (8, 9)]


def _tc_body(q_ref, m_ref, cand2_ref, sum_out_ref,
             cand_ref, q2s_ref, qn_ref, sum_ref, sq_ref, qbar_ref,
             *, k_valid, grid):
    i = pl.program_id(0)
    q_rows = q_ref.shape[0]

    @pl.when(i == 0)
    def _init():
        for j in range(NEIGH):
            cand_ref[:, j * LANES:(j + 1) * LANES] = jnp.full(
                (q_rows, LANES), -jnp.inf, jnp.float32)
        q = q_ref[...]
        q2 = jnp.sum(q * q, axis=1, keepdims=True)
        q2s_ref[...] = q2
        qn_ref[...] = q * -2.0
        qbar_ref[...] = jnp.sum(q, axis=0, keepdims=True)
        sum_ref[0] = 0.0
        sq_ref[0] = jnp.sum(q2)

    m = m_ref[...]
    row = i * BK + jax.lax.broadcasted_iota(jnp.int32, (BK, 1), 0)
    m = jnp.where(row < k_valid, m, 0.0)
    dotn = jax.lax.dot_general(
        qn_ref[...], m, (((1,), (1,)), ((), ())),
        preferred_element_type=jnp.float32,
        precision=jax.lax.Precision.DEFAULT)
    m2 = jnp.sum(m * m, axis=1)
    col = i * BK + jax.lax.broadcasted_iota(jnp.int32, (1, BK), 1)
    m2m = jnp.where(col < k_valid, m2[None, :], -jnp.inf)
    d2m = m2m + dotn
    nvalid = jnp.minimum(k_valid - i * BK, BK).astype(jnp.float32)
    s_m2 = jnp.sum(m2)
    mbar = jnp.sum(m, axis=0, keepdims=True)
    qm = jnp.sum(qbar_ref[...] * mbar)
    sum_ref[0] += nvalid * sq_ref[0] + q_rows * s_m2 - 2.0 * qm

    s = [d2m[:, c * LANES:(c + 1) * LANES] for c in range(BK // LANES)]
    for a, b in _SORT16:
        hi = jnp.maximum(s[a], s[b])
        lo = jnp.minimum(s[a], s[b])
        s[a], s[b] = hi, lo
    slots = [cand_ref[:, j * LANES:(j + 1) * LANES] for j in range(NEIGH)]
    t = [jnp.maximum(slots[j], s[NEIGH - 1 - j]) for j in range(NEIGH)]
    for a, b in _CLEAN10:
        hi = jnp.maximum(t[a], t[b])
        lo = jnp.minimum(t[a], t[b])
        t[a], t[b] = hi, lo
    for j in range(NEIGH):
        cand_ref[:, j * LANES:(j + 1) * LANES] = t[j]

    @pl.when(i == grid - 1)
    def _final():
        cur = t
        width = LANES
        for _ in range(2):
            half = width // 2
            a = [x[:, :half] for x in cur]
            b = [x[:, half:] for x in cur]
            nxt = [jnp.maximum(a[j], b[NEIGH - 1 - j]) for j in range(NEIGH)]
            for p_, q_ in _CLEAN10:
                hi = jnp.maximum(nxt[p_], nxt[q_])
                lo = jnp.minimum(nxt[p_], nxt[q_])
                nxt[p_], nxt[q_] = hi, lo
            cur = nxt
            width = half
        q2 = q2s_ref[...]
        for j in range(NEIGH):
            cand2_ref[:, j * width:(j + 1) * width] = cur[j] + q2
        sum_out_ref[...] = jnp.full((1, LANES), sum_ref[0], jnp.float32)


def _tc_stage(query, memory):
    q_rows, d = query.shape
    k_valid = memory.shape[0]
    grid = pl.cdiv(k_valid, BK)
    w = NEIGH * LANES

    w2 = w // 4
    body = functools.partial(_tc_body, k_valid=k_valid, grid=grid)
    cand2, sumv = pl.pallas_call(
        body,
        grid=(grid,),
        in_specs=[
            pl.BlockSpec((q_rows, d), lambda i: (0, 0)),
            pl.BlockSpec((BK, d), lambda i: (i, 0)),
        ],
        out_specs=[
            pl.BlockSpec((q_rows, w2), lambda i: (0, 0)),
            pl.BlockSpec((1, LANES), lambda i: (0, 0)),
        ],
        out_shape=[
            jax.ShapeDtypeStruct((q_rows, w2), jnp.float32),
            jax.ShapeDtypeStruct((1, LANES), jnp.float32),
        ],
        scratch_shapes=[
            pltpu.VMEM((q_rows, w), jnp.float32),
            pltpu.VMEM((q_rows, 1), jnp.float32),
            pltpu.VMEM((q_rows, d), jnp.float32),
            pltpu.SMEM((1,), jnp.float32),
            pltpu.SMEM((1,), jnp.float32),
            pltpu.VMEM((1, LANES), jnp.float32),
        ],
        compiler_params=pltpu.CompilerParams(
            dimension_semantics=("arbitrary",)),
    )(query, memory)
    return cand2, sumv


def _make_sc_select(q_rows, w, inv_qk):
    info = plsc.get_sparse_core_info()
    nc, ns, nl = info.num_cores, info.num_subcores, info.num_lanes
    nw = nc * ns
    rows_per = q_rows // nw
    vecs_per_row = w // nl
    mesh = plsc.VectorSubcoreMesh(core_axis_name="c", subcore_axis_name="s")

    @functools.partial(
        pl.kernel, mesh=mesh,
        out_type=jax.ShapeDtypeStruct((q_rows,), jnp.float32),
        compiler_params=pltpu.CompilerParams(needs_layout_passes=False),
        scratch_types=[
            pltpu.VMEM((rows_per, w), jnp.float32),
            pltpu.VMEM((nl,), jnp.float32),
            pltpu.VMEM((rows_per,), jnp.float32),
        ],
    )
    def sc_select(cand_hbm, sum_hbm, out_hbm, cand_v, sum_v, srow_v):
        wid = lax.axis_index("s") * nc + lax.axis_index("c")
        base = wid * rows_per
        pltpu.sync_copy(cand_hbm.at[pl.ds(base, rows_per)], cand_v)
        pltpu.sync_copy(sum_hbm.at[0, pl.ds(0, nl)], sum_v)
        mean_vec = sum_v[...] * inv_qk

        lanes = lax.iota(jnp.int32, nl)
        ninf = jnp.full((nl,), -jnp.inf, jnp.float32)
        for g in range(rows_per // nl):
            rid = lanes + g * nl

            def cand_body(c, slots, rid=rid):
                for u in range(4):
                    cid = lax.broadcast_in_dim(c * 4 + u, (nl,), ())
                    cur = plsc.load_gather(cand_v, [rid, cid])
                    new = []
                    for sj in slots:
                        hi = jnp.maximum(sj, cur)
                        cur = jnp.minimum(sj, cur)
                        new.append(hi)
                    slots = tuple(new)
                return slots

            slots = lax.fori_loop(0, w // 4, cand_body, (ninf,) * NEIGH)
            s = jnp.zeros((nl,), jnp.float32)
            for sj in slots:
                d2 = jnp.maximum(sj, 0.0)
                s = s + EPS / (d2 / mean_vec + EPS)
            x = s + EPS
            i32 = plsc.bitcast(x, jnp.int32)
            y = plsc.bitcast(jnp.int32(0x5F3759DF) - (i32 >> 1), jnp.float32)
            for _ in range(3):
                y = y * (1.5 - 0.5 * x * y * y)
            srow_v[pl.ds(g * nl, nl)] = y
        pltpu.sync_copy(srow_v, out_hbm.at[pl.ds(base, rows_per)])

    return sc_select


def kernel(query, memory):
    q_rows = query.shape[0]
    k_valid = memory.shape[0]
    w2 = NEIGH * LANES // 4
    cand2, sumv = _tc_stage(query, memory)
    sc_select = _make_sc_select(q_rows, w2, 1.0 / (q_rows * k_valid))
    out = sc_select(cand2, sumv)
    return out

# --- scband reference (transcript-rebuilt; emitter-appended) ---
"""Pipeline reference for scband-episodic-memory-61667140436624 (READ-ONLY COPY).

The authoritative reference and input builder live on the scoring server;
editing this copy changes nothing except your own understanding.
"""

import jax, jax.numpy as jnp
import numpy as np

NEIGHBORS = 10
EPS = 1e-5

def setup_inputs(seed: int = 0) -> dict:
    key = jax.random.key(seed)
    k1, k2 = jax.random.split(key)
    query = jax.random.normal(k1, (1024, 128), dtype=jnp.float32)
    memory = jax.random.normal(k2, (100000, 128), dtype=jnp.float32)
    return {"query": query, "memory": memory}

def reference(query, memory):
    # Pairwise squared euclidean distances between current embeddings (queries)
    # and the episodic memory buffer, as in _episodic_reward / _inverse_kernel.
    q2 = jnp.sum(query * query, axis=1, keepdims=True)          # [Q, 1]
    m2 = jnp.sum(memory * memory, axis=1)                        # [K]
    d2 = q2 + m2[None, :] - 2.0 * (query @ memory.T)             # [Q, K]
    d2 = jnp.maximum(d2, 0.0)
    # Running mean of squared distances (batched approximation: mean over all pairs)
    mean_d2 = jnp.mean(d2)
    # Inverse kernel: eps / (d2 / mean(d2) + eps)
    kernel = EPS / (d2 / mean_d2 + EPS)                          # [Q, K]
    # sklearn kneighbors with a callable metric returns the k SMALLEST metric
    # values; emulate with top_k on the negated kernel.
    neg_topk, idx = jax.lax.top_k(-kernel, NEIGHBORS)            # [Q, k]
    neighbor_distances = -neg_topk                               # [Q, k]
    # episodic_reward = 1 / sqrt(sum(neighbor_distances) + denominator_constant)
    episodic_reward = 1.0 / jnp.sqrt(jnp.sum(neighbor_distances, axis=1) + EPS)  # [Q]
    return episodic_reward

if __name__ == "__main__":
    import jax
    _d = setup_inputs()
    print(jax.jit(kernel)(*tuple(_d.values())))

</pallas_src>

<mosaic_0001>
#map = affine_map<(d0, d1) -> (0, 0)>
#map1 = affine_map<(d0, d1) -> (0)>
module attributes {stable_mosaic.version = 14 : i64} {
  func.func @sc_select(%arg0: i32, %arg1: i32, %arg2: memref<1024x320xf32, #tpu.memory_space<hbm>>, %arg3: memref<1x128xf32, #tpu.memory_space<hbm>>, %arg4: memref<1024xf32, #tpu.memory_space<hbm>>, %arg5: memref<32x320xf32, #tpu.memory_space<vmem>>, %arg6: memref<16xf32, #tpu.memory_space<vmem>>, %arg7: memref<32xf32, #tpu.memory_space<vmem>>) attributes {dimension_semantics = [#tpu.dimension_semantics<core_parallel>, #tpu.dimension_semantics<subcore_parallel>], iteration_bounds = array<i64: 2, 16>, scalar_prefetch = 0 : i64, scratch_operands = 3 : i64, tpu.core_type = #tpu.core_type<sc_vector_subcore>, window_params = [{transform_indices = #map}, {transform_indices = #map}, {transform_indices = #map1}]} {
    %mul3A = arith.constant 2 : i32
    %mul3A_0 = arith.muli %arg1, %mul3A : i32
    %add3A = arith.addi %mul3A_0, %arg0 : i32
    %mul3A_1 = arith.constant 32 : i32
    %mul3A_2 = arith.muli %add3A, %mul3A_1 : i32
    "tpu.region"() ({
      %run_scoped3A_323 = tpu.sem_alloc : memref<!tpu.dma_semaphore, #tpu.memory_space<semaphore_mem>>
      %dma_start3A = arith.constant 0 : i32
      %dma_start3A_324 = tpu.memref_slice %arg2[%mul3A_2, %dma_start3A] : memref<1024x320xf32, #tpu.memory_space<hbm>> -> memref<32x320xf32, #tpu.memory_space<hbm>>
      %dma_start3A_325 = arith.constant 0 : i32
      %dma_start3A_326 = tpu.memref_slice %arg2[%mul3A_2, %dma_start3A_325] : memref<1024x320xf32, #tpu.memory_space<hbm>> -> memref<32x320xf32, #tpu.memory_space<hbm>>
      tpu.enqueue_dma source(%dma_start3A_326 : memref<32x320xf32, #tpu.memory_space<hbm>>) target(%arg5 : memref<32x320xf32, #tpu.memory_space<vmem>>) target_semaphore(%run_scoped3A_323 : memref<!tpu.dma_semaphore, #tpu.memory_space<semaphore_mem>>)
      %dma_wait3A = arith.constant 0 : i32
      %dma_wait3A_327 = tpu.memref_slice %arg2[%mul3A_2, %dma_wait3A] : memref<1024x320xf32, #tpu.memory_space<hbm>> -> memref<32x320xf32, #tpu.memory_space<hbm>>
      %dma_wait3A_328 = arith.constant 0 : i32
      %dma_wait3A_329 = tpu.memref_slice %arg2[%mul3A_2, %dma_wait3A_328] : memref<1024x320xf32, #tpu.memory_space<hbm>> -> memref<32x320xf32, #tpu.memory_space<hbm>>
      tpu.wait_dma2 semaphore(%run_scoped3A_323 : memref<!tpu.dma_semaphore, #tpu.memory_space<semaphore_mem>>) src(%dma_wait3A_329 : memref<32x320xf32, #tpu.memory_space<hbm>>) dst(%arg5 : memref<32x320xf32, #tpu.memory_space<vmem>>)
      tpu.yield
    }) : () -> ()
    %run_scoped3A = arith.constant 0 : i32
    "tpu.region"() ({
      %run_scoped3A_323 = tpu.sem_alloc : memref<!tpu.dma_semaphore, #tpu.memory_space<semaphore_mem>>
      %dma_start3A = arith.constant 0 : i32
      %dma_start3A_324 = tpu.memref_slice %arg3[%run_scoped3A, %dma_start3A] : memref<1x128xf32, #tpu.memory_space<hbm>> -> memref<1x16xf32, #tpu.memory_space<hbm>>
      %dma_start3A_325 = tpu.memref_squeeze %dma_start3A_324 : memref<1x16xf32, #tpu.memory_space<hbm>> -> memref<16xf32, #tpu.memory_space<hbm>>
      %dma_start3A_326 = arith.constant 0 : i32
      %dma_start3A_327 = tpu.memref_slice %arg3[%run_scoped3A, %dma_start3A_326] : memref<1x128xf32, #tpu.memory_space<hbm>> -> memref<1x16xf32, #tpu.memory_space<hbm>>
      %dma_start3A_328 = tpu.memref_squeeze %dma_start3A_327 : memref<1x16xf32, #tpu.memory_space<hbm>> -> memref<16xf32, #tpu.memory_space<hbm>>
      tpu.enqueue_dma source(%dma_start3A_328 : memref<16xf32, #tpu.memory_space<hbm>>) target(%arg6 : memref<16xf32, #tpu.memory_space<vmem>>) target_semaphore(%run_scoped3A_323 : memref<!tpu.dma_semaphore, #tpu.memory_space<semaphore_mem>>)
      %dma_wait3A = arith.constant 0 : i32
      %dma_wait3A_329 = tpu.memref_slice %arg3[%run_scoped3A, %dma_wait3A] : memref<1x128xf32, #tpu.memory_space<hbm>> -> memref<1x16xf32, #tpu.memory_space<hbm>>
      %dma_wait3A_330 = tpu.memref_squeeze %dma_wait3A_329 : memref<1x16xf32, #tpu.memory_space<hbm>> -> memref<16xf32, #tpu.memory_space<hbm>>
      %dma_wait3A_331 = arith.constant 0 : i32
      %dma_wait3A_332 = tpu.memref_slice %arg3[%run_scoped3A, %dma_wait3A_331] : memref<1x128xf32, #tpu.memory_space<hbm>> -> memref<1x16xf32, #tpu.memory_space<hbm>>
      %dma_wait3A_333 = tpu.memref_squeeze %dma_wait3A_332 : memref<1x16xf32, #tpu.memory_space<hbm>> -> memref<16xf32, #tpu.memory_space<hbm>>
      tpu.wait_dma2 semaphore(%run_scoped3A_323 : memref<!tpu.dma_semaphore, #tpu.memory_space<semaphore_mem>>) src(%dma_wait3A_333 : memref<16xf32, #tpu.memory_space<hbm>>) dst(%arg6 : memref<16xf32, #tpu.memory_space<vmem>>)
      tpu.yield
    }) : () -> ()
    %get3A = arith.constant 0 : index
    %get3A_3 = tpu.vector_load %arg6[%get3A] {strides = array<i32>} : memref<16xf32, #tpu.memory_space<vmem>>, vector<16xf32>,
    %mul3A_4 = arith.constant 9.76562475E-9 : f32
    %mul3A_5 = vector.broadcast %mul3A_4 : f32 to vector<16xf32>
    %mul3A_6 = arith.mulf %get3A_3, %mul3A_5 : vector<16xf32>
    %iota3A = tpu.iota {dimensions = array<i32: 0>} : vector<16xi32>
    %broadcast_in_dim3A = arith.constant 0xFF800000 : f32
    %broadcast_in_dim3A_7 = vector.broadcast %broadcast_in_dim3A : f32 to vector<16xf32>
    %add3A_8 = arith.constant 0 : i32
    %add3A_9 = vector.broadcast %add3A_8 : i32 to vector<16xi32>
    %add3A_10 = arith.addi %iota3A, %add3A_9 : vector<16xi32>
    %scan3A = arith.constant 0 : i32
    %scan3A_11 = arith.constant 80 : i32
    %scan3A_12 = arith.addi %scan3A, %scan3A_11 : i32
    %scan3A_13 = arith.constant 1 : i32
    %scan3A_14:10 = scf.for %scan3A_323 = %scan3A to %scan3A_12 step %scan3A_13 iter_args(%scan3A_324 = %broadcast_in_dim3A_7, %scan3A_325 = %broadcast_in_dim3A_7, %scan3A_326 = %broadcast_in_dim3A_7, %scan3A_327 = %broadcast_in_dim3A_7, %scan3A_328 = %broadcast_in_dim3A_7, %scan3A_329 = %broadcast_in_dim3A_7, %scan3A_330 = %broadcast_in_dim3A_7, %scan3A_331 = %broadcast_in_dim3A_7, %scan3A_332 = %broadcast_in_dim3A_7, %scan3A_333 = %broadcast_in_dim3A_7) -> (vector<16xf32>, vector<16xf32>, vector<16xf32>, vector<16xf32>, vector<16xf32>, vector<16xf32>, vector<16xf32>, vector<16xf32>, vector<16xf32>, vector<16xf32>)  : i32 {
      %mul3A_334 = arith.constant 4 : i32
      %mul3A_335 = arith.muli %scan3A_323, %mul3A_334 : i32
      %add3A_336 = arith.constant 0 : i32
      %add3A_337 = arith.addi %mul3A_335, %add3A_336 : i32
      %broadcast_in_dim3A_338 = vector.broadcast %add3A_337 : i32 to vector<16xi32>
      %gather3A = tpu.vector_load_idx %arg5[%add3A_10, %broadcast_in_dim3A_338] : memref<32x320xf32, #tpu.memory_space<vmem>>[vector<16xi32>, vector<16xi32>], vector<16xf32>,
      %max3A_339 = arith.maximumf %scan3A_324, %gather3A : vector<16xf32>
      %min3A = arith.minimumf %scan3A_324, %gather3A : vector<16xf32>
      %max3A_340 = arith.maximumf %scan3A_325, %min3A : vector<16xf32>
      %min3A_341 = arith.minimumf %scan3A_325, %min3A : vector<16xf32>
      %max3A_342 = arith.maximumf %scan3A_326, %min3A_341 : vector<16xf32>
      %min3A_343 = arith.minimumf %scan3A_326, %min3A_341 : vector<16xf32>
      %max3A_344 = arith.maximumf %scan3A_327, %min3A_343 : vector<16xf32>
      %min3A_345 = arith.minimumf %scan3A_327, %min3A_343 : vector<16xf32>
      %max3A_346 = arith.maximumf %scan3A_328, %min3A_345 : vector<16xf32>
      %min3A_347 = arith.minimumf %scan3A_328, %min3A_345 : vector<16xf32>
      %max3A_348 = arith.maximumf %scan3A_329, %min3A_347 : vector<16xf32>
      %min3A_349 = arith.minimumf %scan3A_329, %min3A_347 : vector<16xf32>
      %max3A_350 = arith.maximumf %scan3A_330, %min3A_349 : vector<16xf32>
      %min3A_351 = arith.minimumf %scan3A_330, %min3A_349 : vector<16xf32>
      %max3A_352 = arith.maximumf %scan3A_331, %min3A_351 : vector<16xf32>
      %min3A_353 = arith.minimumf %scan3A_331, %min3A_351 : vector<16xf32>
      %max3A_354 = arith.maximumf %scan3A_332, %min3A_353 : vector<16xf32>
      %min3A_355 = arith.minimumf %scan3A_332, %min3A_353 : vector<16xf32>
      %max3A_356 = arith.maximumf %scan3A_333, %min3A_355 : vector<16xf32>
      %min3A_357 = arith.minimumf %scan3A_333, %min3A_355 : vector<16xf32>
      %mul3A_358 = arith.constant 4 : i32
      %mul3A_359 = arith.muli %scan3A_323, %mul3A_358 : i32
      %add3A_360 = arith.constant 1 : i32
      %add3A_361 = arith.addi %mul3A_359, %add3A_360 : i32
      %broadcast_in_dim3A_362 = vector.broadcast %add3A_361 : i32 to vector<16xi32>
      %gather3A_363 = tpu.vector_load_idx %arg5[%add3A_10, %broadcast_in_dim3A_362] : memref<32x320xf32, #tpu.memory_space<vmem>>[vector<16xi32>, vector<16xi32>], vector<16xf32>,
      %max3A_364 = arith.maximumf %max3A_339, %gather3A_363 : vector<16xf32>
      %min3A_365 = arith.minimumf %max3A_339, %gather3A_363 : vector<16xf32>
      %max3A_366 = arith.maximumf %max3A_340, %min3A_365 : vector<16xf32>
      %min3A_367 = arith.minimumf %max3A_340, %min3A_365 : vector<16xf32>
      %max3A_368 = arith.maximumf %max3A_342, %min3A_367 : vector<16xf32>
      %min3A_369 = arith.minimumf %max3A_342, %min3A_367 : vector<16xf32>
      %max3A_370 = arith.maximumf %max3A_344, %min3A_369 : vector<16xf32>
      %min3A_371 = arith.minimumf %max3A_344, %min3A_369 : vector<16xf32>
      %max3A_372 = arith.maximumf %max3A_346, %min3A_371 : vector<16xf32>
      %min3A_373 = arith.minimumf %max3A_346, %min3A_371 : vector<16xf32>
      %max3A_374 = arith.maximumf %max3A_348, %min3A_373 : vector<16xf32>
      %min3A_375 = arith.minimumf %max3A_348, %min3A_373 : vector<16xf32>
      %max3A_376 = arith.maximumf %max3A_350, %min3A_375 : vector<16xf32>
      %min3A_377 = arith.minimumf %max3A_350, %min3A_375 : vector<16xf32>
      %max3A_378 = arith.maximumf %max3A_352, %min3A_377 : vector<16xf32>
      %min3A_379 = arith.minimumf %max3A_352, %min3A_377 : vector<16xf32>
      %max3A_380 = arith.maximumf %max3A_354, %min3A_379 : vector<16xf32>
      %min3A_381 = arith.minimumf %max3A_354, %min3A_379 : vector<16xf32>
      %max3A_382 = arith.maximumf %max3A_356, %min3A_381 : vector<16xf32>
      %min3A_383 = arith.minimumf %max3A_356, %min3A_381 : vector<16xf32>
      %mul3A_384 = arith.constant 4 : i32
      %mul3A_385 = arith.muli %scan3A_323, %mul3A_384 : i32
      %add3A_386 = arith.constant 2 : i32
      %add3A_387 = arith.addi %mul3A_385, %add3A_386 : i32
      %broadcast_in_dim3A_388 = vector.broadcast %add3A_387 : i32 to vector<16xi32>
      %gather3A_389 = tpu.vector_load_idx %arg5[%add3A_10, %broadcast_in_dim3A_388] : memref<32x320xf32, #tpu.memory_space<vmem>>[vector<16xi32>, vector<16xi32>], vector<16xf32>,
      %max3A_390 = arith.maximumf %max3A_364, %gather3A_389 : vector<16xf32>
      %min3A_391 = arith.minimumf %max3A_364, %gather3A_389 : vector<16xf32>
      %max3A_392 = arith.maximumf %max3A_366, %min3A_391 : vector<16xf32>
      %min3A_393 = arith.minimumf %max3A_366, %min3A_391 : vector<16xf32>
      %max3A_394 = arith.maximumf %max3A_368, %min3A_393 : vector<16xf32>
      %min3A_395 = arith.minimumf %max3A_368, %min3A_393 : vector<16xf32>
      %max3A_396 = arith.maximumf %max3A_370, %min3A_395 : vector<16xf32>
      %min3A_397 = arith.minimumf %max3A_370, %min3A_395 : vector<16xf32>
      %max3A_398 = arith.maximumf %max3A_372, %min3A_397 : vector<16xf32>
      %min3A_399 = arith.minimumf %max3A_372, %min3A_397 : vector<16xf32>
      %max3A_400 = arith.maximumf %max3A_374, %min3A_399 : vector<16xf32>
      %min3A_401 = arith.minimumf %max3A_374, %min3A_399 : vector<16xf32>
      %max3A_402 = arith.maximumf %max3A_376, %min3A_401 : vector<16xf32>
      %min3A_403 = arith.minimumf %max3A_376, %min3A_401 : vector<16xf32>
      %max3A_404 = arith.maximumf %max3A_378, %min3A_403 : vector<16xf32>
      %min3A_405 = arith.minimumf %max3A_378, %min3A_403 : vector<16xf32>
      %max3A_406 = arith.maximumf %max3A_380, %min3A_405 : vector<16xf32>
      %min3A_407 = arith.minimumf %max3A_380, %min3A_405 : vector<16xf32>
      %max3A_408 = arith.maximumf %max3A_382, %min3A_407 : vector<16xf32>
      %min3A_409 = arith.minimumf %max3A_382, %min3A_407 : vector<16xf32>
      %mul3A_410 = arith.constant 4 : i32
      %mul3A_411 = arith.muli %scan3A_323, %mul3A_410 : i32
      %add3A_412 = arith.constant 3 : i32
      %add3A_413 = arith.addi %mul3A_411, %add3A_412 : i32
      %broadcast_in_dim3A_414 = vector.broadcast %add3A_413 : i32 to vector<16xi32>
      %gather3A_415 = tpu.vector_load_idx %arg5[%add3A_10, %broadcast_in_dim3A_414] : memref<32x320xf32, #tpu.memory_space<vmem>>[vector<16xi32>, vector<16xi32>], vector<16xf32>,
      %max3A_416 = arith.maximumf %max3A_390, %gather3A_415 : vector<16xf32>
      %min3A_417 = arith.minimumf %max3A_390, %gather3A_415 : vector<16xf32>
      %max3A_418 = arith.maximumf %max3A_392, %min3A_417 : vector<16xf32>
      %min3A_419 = arith.minimumf %max3A_392, %min3A_417 : vector<16xf32>
      %max3A_420 = arith.maximumf %max3A_394, %min3A_419 : vector<16xf32>
      %min3A_421 = arith.minimumf %max3A_394, %min3A_419 : vector<16xf32>
      %max3A_422 = arith.maximumf %max3A_396, %min3A_421 : vector<16xf32>
      %min3A_423 = arith.minimumf %max3A_396, %min3A_421 : vector<16xf32>
      %max3A_424 = arith.maximumf %max3A_398, %min3A_423 : vector<16xf32>
      %min3A_425 = arith.minimumf %max3A_398, %min3A_423 : vector<16xf32>
      %max3A_426 = arith.maximumf %max3A_400, %min3A_425 : vector<16xf32>
      %min3A_427 = arith.minimumf %max3A_400, %min3A_425 : vector<16xf32>
      %max3A_428 = arith.maximumf %max3A_402, %min3A_427 : vector<16xf32>
      %min3A_429 = arith.minimumf %max3A_402, %min3A_427 : vector<16xf32>
      %max3A_430 = arith.maximumf %max3A_404, %min3A_429 : vector<16xf32>
      %min3A_431 = arith.minimumf %max3A_404, %min3A_429 : vector<16xf32>
      %max3A_432 = arith.maximumf %max3A_406, %min3A_431 : vector<16xf32>
      %min3A_433 = arith.minimumf %max3A_406, %min3A_431 : vector<16xf32>
      %max3A_434 = arith.maximumf %max3A_408, %min3A_433 : vector<16xf32>
      %min3A_435 = arith.minimumf %max3A_408, %min3A_433 : vector<16xf32>
      scf.yield %max3A_416, %max3A_418, %max3A_420, %max3A_422, %max3A_424, %max3A_426, %max3A_428, %max3A_430, %max3A_432, %max3A_434 : vector<16xf32>, vector<16xf32>, vector<16xf32>, vector<16xf32>, vector<16xf32>, vector<16xf32>, vector<16xf32>, vector<16xf32>, vector<16xf32>, vector<16xf32>
    }
    %scan3A_15 = arith.constant 80 : i32
    %broadcast_in_dim3A_16 = arith.constant 0.000000e+00 : f32
    %broadcast_in_dim3A_17 = vector.broadcast %broadcast_in_dim3A_16 : f32 to vector<16xf32>
    %max3A = arith.constant 0.000000e+00 : f32
    %max3A_18 = vector.broadcast %max3A : f32 to vector<16xf32>
    %max3A_19 = arith.maximumf %scan3A_14#0, %max3A_18 : vector<16xf32>
    %div3A = arith.divf %max3A_19, %mul3A_6 : vector<16xf32>
    %add3A_20 = arith.constant 9.99999974E-6 : f32
    %add3A_21 = vector.broadcast %add3A_20 : f32 to vector<16xf32>
    %add3A_22 = arith.addf %div3A, %add3A_21 : vector<16xf32>
    %div3A_23 = arith.constant 9.99999974E-6 : f32
    %div3A_24 = vector.broadcast %div3A_23 : f32 to vector<16xf32>
    %div3A_25 = arith.divf %div3A_24, %add3A_22 : vector<16xf32>
    %add3A_26 = arith.addf %broadcast_in_dim3A_17, %div3A_25 : vector<16xf32>
    %max3A_27 = arith.constant 0.000000e+00 : f32
    %max3A_28 = vector.broadcast %max3A_27 : f32 to vector<16xf32>
    %max3A_29 = arith.maximumf %scan3A_14#1, %max3A_28 : vector<16xf32>
    %div3A_30 = arith.divf %max3A_29, %mul3A_6 : vector<16xf32>
    %add3A_31 = arith.constant 9.99999974E-6 : f32
    %add3A_32 = vector.broadcast %add3A_31 : f32 to vector<16xf32>
    %add3A_33 = arith.addf %div3A_30, %add3A_32 : vector<16xf32>
    %div3A_34 = arith.constant 9.99999974E-6 : f32
    %div3A_35 = vector.broadcast %div3A_34 : f32 to vector<16xf32>
    %div3A_36 = arith.divf %div3A_35, %add3A_33 : vector<16xf32>
    %add3A_37 = arith.addf %add3A_26, %div3A_36 : vector<16xf32>
    %max3A_38 = arith.constant 0.000000e+00 : f32
    %max3A_39 = vector.broadcast %max3A_38 : f32 to vector<16xf32>
    %max3A_40 = arith.maximumf %scan3A_14#2, %max3A_39 : vector<16xf32>
    %div3A_41 = arith.divf %max3A_40, %mul3A_6 : vector<16xf32>
    %add3A_42 = arith.constant 9.99999974E-6 : f32
    %add3A_43 = vector.broadcast %add3A_42 : f32 to vector<16xf32>
    %add3A_44 = arith.addf %div3A_41, %add3A_43 : vector<16xf32>
    %div3A_45 = arith.constant 9.99999974E-6 : f32
    %div3A_46 = vector.broadcast %div3A_45 : f32 to vector<16xf32>
    %div3A_47 = arith.divf %div3A_46, %add3A_44 : vector<16xf32>
    %add3A_48 = arith.addf %add3A_37, %div3A_47 : vector<16xf32>
    %max3A_49 = arith.constant 0.000000e+00 : f32
    %max3A_50 = vector.broadcast %max3A_49 : f32 to vector<16xf32>
    %max3A_51 = arith.maximumf %scan3A_14#3, %max3A_50 : vector<16xf32>
    %div3A_52 = arith.divf %max3A_51, %mul3A_6 : vector<16xf32>
    %add3A_53 = arith.constant 9.99999974E-6 : f32
    %add3A_54 = vector.broadcast %add3A_53 : f32 to vector<16xf32>
    %add3A_55 = arith.addf %div3A_52, %add3A_54 : vector<16xf32>
    %div3A_56 = arith.constant 9.99999974E-6 : f32
    %div3A_57 = vector.broadcast %div3A_56 : f32 to vector<16xf32>
    %div3A_58 = arith.divf %div3A_57, %add3A_55 : vector<16xf32>
    %add3A_59 = arith.addf %add3A_48, %div3A_58 : vector<16xf32>
    %max3A_60 = arith.constant 0.000000e+00 : f32
    %max3A_61 = vector.broadcast %max3A_60 : f32 to vector<16xf32>
    %max3A_62 = arith.maximumf %scan3A_14#4, %max3A_61 : vector<16xf32>
    %div3A_63 = arith.divf %max3A_62, %mul3A_6 : vector<16xf32>
    %add3A_64 = arith.constant 9.99999974E-6 : f32
    %add3A_65 = vector.broadcast %add3A_64 : f32 to vector<16xf32>
    %add3A_66 = arith.addf %div3A_63, %add3A_65 : vector<16xf32>
    %div3A_67 = arith.constant 9.99999974E-6 : f32
    %div3A_68 = vector.broadcast %div3A_67 : f32 to vector<16xf32>
    %div3A_69 = arith.divf %div3A_68, %add3A_66 : vector<16xf32>
    %add3A_70 = arith.addf %add3A_59, %div3A_69 : vector<16xf32>
    %max3A_71 = arith.constant 0.000000e+00 : f32
    %max3A_72 = vector.broadcast %max3A_71 : f32 to vector<16xf32>
    %max3A_73 = arith.maximumf %scan3A_14#5, %max3A_72 : vector<16xf32>
    %div3A_74 = arith.divf %max3A_73, %mul3A_6 : vector<16xf32>
    %add3A_75 = arith.constant 9.99999974E-6 : f32
    %add3A_76 = vector.broadcast %add3A_75 : f32 to vector<16xf32>
    %add3A_77 = arith.addf %div3A_74, %add3A_76 : vector<16xf32>
    %div3A_78 = arith.constant 9.99999974E-6 : f32
    %div3A_79 = vector.broadcast %div3A_78 : f32 to vector<16xf32>
    %div3A_80 = arith.divf %div3A_79, %add3A_77 : vector<16xf32>
    %add3A_81 = arith.addf %add3A_70, %div3A_80 : vector<16xf32>
    %max3A_82 = arith.constant 0.000000e+00 : f32
    %max3A_83 = vector.broadcast %max3A_82 : f32 to vector<16xf32>
    %max3A_84 = arith.maximumf %scan3A_14#6, %max3A_83 : vector<16xf32>
    %div3A_85 = arith.divf %max3A_84, %mul3A_6 : vector<16xf32>
    %add3A_86 = arith.constant 9.99999974E-6 : f32
    %add3A_87 = vector.broadcast %add3A_86 : f32 to vector<16xf32>
    %add3A_88 = arith.addf %div3A_85, %add3A_87 : vector<16xf32>
    %div3A_89 = arith.constant 9.99999974E-6 : f32
    %div3A_90 = vector.broadcast %div3A_89 : f32 to vector<16xf32>
    %div3A_91 = arith.divf %div3A_90, %add3A_88 : vector<16xf32>
    %add3A_92 = arith.addf %add3A_81, %div3A_91 : vector<16xf32>
    %max3A_93 = arith.constant 0.000000e+00 : f32
    %max3A_94 = vector.broadcast %max3A_93 : f32 to vector<16xf32>
    %max3A_95 = arith.maximumf %scan3A_14#7, %max3A_94 : vector<16xf32>
    %div3A_96 = arith.divf %max3A_95, %mul3A_6 : vector<16xf32>
    %add3A_97 = arith.constant 9.99999974E-6 : f32
    %add3A_98 = vector.broadcast %add3A_97 : f32 to vector<16xf32>
    %add3A_99 = arith.addf %div3A_96, %add3A_98 : vector<16xf32>
    %div3A_100 = arith.constant 9.99999974E-6 : f32
    %div3A_101 = vector.broadcast %div3A_100 : f32 to vector<16xf32>
    %div3A_102 = arith.divf %div3A_101, %add3A_99 : vector<16xf32>
    %add3A_103 = arith.addf %add3A_92, %div3A_102 : vector<16xf32>
    %max3A_104 = arith.constant 0.000000e+00 : f32
    %max3A_105 = vector.broadcast %max3A_104 : f32 to vector<16xf32>
    %max3A_106 = arith.maximumf %scan3A_14#8, %max3A_105 : vector<16xf32>
    %div3A_107 = arith.divf %max3A_106, %mul3A_6 : vector<16xf32>
    %add3A_108 = arith.constant 9.99999974E-6 : f32
    %add3A_109 = vector.broadcast %add3A_108 : f32 to vector<16xf32>
    %add3A_110 = arith.addf %div3A_107, %add3A_109 : vector<16xf32>
    %div3A_111 = arith.constant 9.99999974E-6 : f32
    %div3A_112 = vector.broadcast %div3A_111 : f32 to vector<16xf32>
    %div3A_113 = arith.divf %div3A_112, %add3A_110 : vector<16xf32>
    %add3A_114 = arith.addf %add3A_103, %div3A_113 : vector<16xf32>
    %max3A_115 = arith.constant 0.000000e+00 : f32
    %max3A_116 = vector.broadcast %max3A_115 : f32 to vector<16xf32>
    %max3A_117 = arith.maximumf %scan3A_14#9, %max3A_116 : vector<16xf32>
    %div3A_118 = arith.divf %max3A_117, %mul3A_6 : vector<16xf32>
    %add3A_119 = arith.constant 9.99999974E-6 : f32
    %add3A_120 = vector.broadcast %add3A_119 : f32 to vector<16xf32>
    %add3A_121 = arith.addf %div3A_118, %add3A_120 : vector<16xf32>
    %div3A_122 = arith.constant 9.99999974E-6 : f32
    %div3A_123 = vector.broadcast %div3A_122 : f32 to vector<16xf32>
    %div3A_124 = arith.divf %div3A_123, %add3A_121 : vector<16xf32>
    %add3A_125 = arith.addf %add3A_114, %div3A_124 : vector<16xf32>
    %add3A_126 = arith.constant 9.99999974E-6 : f32
    %add3A_127 = vector.broadcast %add3A_126 : f32 to vector<16xf32>
    %add3A_128 = arith.addf %add3A_125, %add3A_127 : vector<16xf32>
    %bitcast3A = vector.bitcast %add3A_128 : vector<16xf32> to vector<16xi32>
    %shift_right_arithmetic3A = arith.constant 1 : i32
    %shift_right_arithmetic3A_129 = vector.broadcast %shift_right_arithmetic3A : i32 to vector<16xi32>
    %shift_right_arithmetic3A_130 = arith.shrsi %bitcast3A, %shift_right_arithmetic3A_129 : vector<16xi32>
    %sub3A = arith.constant 1597463007 : i32
    %sub3A_131 = vector.broadcast %sub3A : i32 to vector<16xi32>
    %sub3A_132 = arith.subi %sub3A_131, %shift_right_arithmetic3A_130 : vector<16xi32>
    %bitcast3A_133 = vector.bitcast %sub3A_132 : vector<16xi32> to vector<16xf32>
    %mul3A_134 = arith.constant 5.000000e-01 : f32
    %mul3A_135 = vector.broadcast %mul3A_134 : f32 to vector<16xf32>
    %mul3A_136 = arith.mulf %mul3A_135, %add3A_128 : vector<16xf32>
    %mul3A_137 = arith.mulf %mul3A_136, %bitcast3A_133 : vector<16xf32>
    %mul3A_138 = arith.mulf %mul3A_137, %bitcast3A_133 : vector<16xf32>
    %sub3A_139 = arith.constant 1.500000e+00 : f32
    %sub3A_140 = vector.broadcast %sub3A_139 : f32 to vector<16xf32>
    %sub3A_141 = arith.subf %sub3A_140, %mul3A_138 : vector<16xf32>
    %mul3A_142 = arith.mulf %bitcast3A_133, %sub3A_141 : vector<16xf32>
    %mul3A_143 = arith.constant 5.000000e-01 : f32
    %mul3A_144 = vector.broadcast %mul3A_143 : f32 to vector<16xf32>
    %mul3A_145 = arith.mulf %mul3A_144, %add3A_128 : vector<16xf32>
    %mul3A_146 = arith.mulf %mul3A_145, %mul3A_142 : vector<16xf32>
    %mul3A_147 = arith.mulf %mul3A_146, %mul3A_142 : vector<16xf32>
    %sub3A_148 = arith.constant 1.500000e+00 : f32
    %sub3A_149 = vector.broadcast %sub3A_148 : f32 to vector<16xf32>
    %sub3A_150 = arith.subf %sub3A_149, %mul3A_147 : vector<16xf32>
    %mul3A_151 = arith.mulf %mul3A_142, %sub3A_150 : vector<16xf32>
    %mul3A_152 = arith.constant 5.000000e-01 : f32
    %mul3A_153 = vector.broadcast %mul3A_152 : f32 to vector<16xf32>
    %mul3A_154 = arith.mulf %mul3A_153, %add3A_128 : vector<16xf32>
    %mul3A_155 = arith.mulf %mul3A_154, %mul3A_151 : vector<16xf32>
    %mul3A_156 = arith.mulf %mul3A_155, %mul3A_151 : vector<16xf32>
    %sub3A_157 = arith.constant 1.500000e+00 : f32
    %sub3A_158 = vector.broadcast %sub3A_157 : f32 to vector<16xf32>
    %sub3A_159 = arith.subf %sub3A_158, %mul3A_156 : vector<16xf32>
    %mul3A_160 = arith.mulf %mul3A_151, %sub3A_159 : vector<16xf32>
    %swap3A = arith.constant 0 : index
    %swap3A_161 = tpu.vector_load %arg7[%swap3A] {strides = array<i32>} : memref<32xf32, #tpu.memory_space<vmem>>, vector<16xf32>,
    tpu.vector_store %arg7[%swap3A], %mul3A_160 {strides = array<i32>} : memref<32xf32, #tpu.memory_space<vmem>>, vector<16xf32>,
    %add3A_162 = arith.constant 16 : i32
    %add3A_163 = vector.broadcast %add3A_162 : i32 to vector<16xi32>
    %add3A_164 = arith.addi %iota3A, %add3A_163 : vector<16xi32>
    %scan3A_165 = arith.constant 0 : i32
    %scan3A_166 = arith.constant 80 : i32
    %scan3A_167 = arith.addi %scan3A_165, %scan3A_166 : i32
    %scan3A_168 = arith.constant 1 : i32
    %scan3A_169:10 = scf.for %scan3A_323 = %scan3A_165 to %scan3A_167 step %scan3A_168 iter_args(%scan3A_324 = %broadcast_in_dim3A_7, %scan3A_325 = %broadcast_in_dim3A_7, %scan3A_326 = %broadcast_in_dim3A_7, %scan3A_327 = %broadcast_in_dim3A_7, %scan3A_328 = %broadcast_in_dim3A_7, %scan3A_329 = %broadcast_in_dim3A_7, %scan3A_330 = %broadcast_in_dim3A_7, %scan3A_331 = %broadcast_in_dim3A_7, %scan3A_332 = %broadcast_in_dim3A_7, %scan3A_333 = %broadcast_in_dim3A_7) -> (vector<16xf32>, vector<16xf32>, vector<16xf32>, vector<16xf32>, vector<16xf32>, vector<16xf32>, vector<16xf32>, vector<16xf32>, vector<16xf32>, vector<16xf32>)  : i32 {
      %mul3A_334 = arith.constant 4 : i32
      %mul3A_335 = arith.muli %scan3A_323, %mul3A_334 : i32
      %add3A_336 = arith.constant 0 : i32
      %add3A_337 = arith.addi %mul3A_335, %add3A_336 : i32
      %broadcast_in_dim3A_338 = vector.broadcast %add3A_337 : i32 to vector<16xi32>
      %gather3A = tpu.vector_load_idx %arg5[%add3A_164, %broadcast_in_dim3A_338] : memref<32x320xf32, #tpu.memory_space<vmem>>[vector<16xi32>, vector<16xi32>], vector<16xf32>,
      %max3A_339 = arith.maximumf %scan3A_324, %gather3A : vector<16xf32>
      %min3A = arith.minimumf %scan3A_324, %gather3A : vector<16xf32>
      %max3A_340 = arith.maximumf %scan3A_325, %min3A : vector<16xf32>
      %min3A_341 = arith.minimumf %scan3A_325, %min3A : vector<16xf32>
      %max3A_342 = arith.maximumf %scan3A_326, %min3A_341 : vector<16xf32>
      %min3A_343 = arith.minimumf %scan3A_326, %min3A_341 : vector<16xf32>
      %max3A_344 = arith.maximumf %scan3A_327, %min3A_343 : vector<16xf32>
      %min3A_345 = arith.minimumf %scan3A_327, %min3A_343 : vector<16xf32>
      %max3A_346 = arith.maximumf %scan3A_328, %min3A_345 : vector<16xf32>
      %min3A_347 = arith.minimumf %scan3A_328, %min3A_345 : vector<16xf32>
      %max3A_348 = arith.maximumf %scan3A_329, %min3A_347 : vector<16xf32>
      %min3A_349 = arith.minimumf %scan3A_329, %min3A_347 : vector<16xf32>
      %max3A_350 = arith.maximumf %scan3A_330, %min3A_349 : vector<16xf32>
      %min3A_351 = arith.minimumf %scan3A_330, %min3A_349 : vector<16xf32>
      %max3A_352 = arith.maximumf %scan3A_331, %min3A_351 : vector<16xf32>
      %min3A_353 = arith.minimumf %scan3A_331, %min3A_351 : vector<16xf32>
      %max3A_354 = arith.maximumf %scan3A_332, %min3A_353 : vector<16xf32>
      %min3A_355 = arith.minimumf %scan3A_332, %min3A_353 : vector<16xf32>
      %max3A_356 = arith.maximumf %scan3A_333, %min3A_355 : vector<16xf32>
      %min3A_357 = arith.minimumf %scan3A_333, %min3A_355 : vector<16xf32>
      %mul3A_358 = arith.constant 4 : i32
      %mul3A_359 = arith.muli %scan3A_323, %mul3A_358 : i32
      %add3A_360 = arith.constant 1 : i32
      %add3A_361 = arith.addi %mul3A_359, %add3A_360 : i32
      %broadcast_in_dim3A_362 = vector.broadcast %add3A_361 : i32 to vector<16xi32>
      %gather3A_363 = tpu.vector_load_idx %arg5[%add3A_164, %broadcast_in_dim3A_362] : memref<32x320xf32, #tpu.memory_space<vmem>>[vector<16xi32>, vector<16xi32>], vector<16xf32>,
      %max3A_364 = arith.maximumf %max3A_339, %gather3A_363 : vector<16xf32>
      %min3A_365 = arith.minimumf %max3A_339, %gather3A_363 : vector<16xf32>
      %max3A_366 = arith.maximumf %max3A_340, %min3A_365 : vector<16xf32>
      %min3A_367 = arith.minimumf %max3A_340, %min3A_365 : vector<16xf32>
      %max3A_368 = arith.maximumf %max3A_342, %min3A_367 : vector<16xf32>
      %min3A_369 = arith.minimumf %max3A_342, %min3A_367 : vector<16xf32>
      %max3A_370 = arith.maximumf %max3A_344, %min3A_369 : vector<16xf32>
      %min3A_371 = arith.minimumf %max3A_344, %min3A_369 : vector<16xf32>
      %max3A_372 = arith.maximumf %max3A_346, %min3A_371 : vector<16xf32>
      %min3A_373 = arith.minimumf %max3A_346, %min3A_371 : vector<16xf32>
      %max3A_374 = arith.maximumf %max3A_348, %min3A_373 : vector<16xf32>
      %min3A_375 = arith.minimumf %max3A_348, %min3A_373 : vector<16xf32>
      %max3A_376 = arith.maximumf %max3A_350, %min3A_375 : vector<16xf32>
      %min3A_377 = arith.minimumf %max3A_350, %min3A_375 : vector<16xf32>
      %max3A_378 = arith.maximumf %max3A_352, %min3A_377 : vector<16xf32>
      %min3A_379 = arith.minimumf %max3A_352, %min3A_377 : vector<16xf32>
      %max3A_380 = arith.maximumf %max3A_354, %min3A_379 : vector<16xf32>
      %min3A_381 = arith.minimumf %max3A_354, %min3A_379 : vector<16xf32>
      %max3A_382 = arith.maximumf %max3A_356, %min3A_381 : vector<16xf32>
      %min3A_383 = arith.minimumf %max3A_356, %min3A_381 : vector<16xf32>
      %mul3A_384 = arith.constant 4 : i32
      %mul3A_385 = arith.muli %scan3A_323, %mul3A_384 : i32
      %add3A_386 = arith.constant 2 : i32
      %add3A_387 = arith.addi %mul3A_385, %add3A_386 : i32
      %broadcast_in_dim3A_388 = vector.broadcast %add3A_387 : i32 to vector<16xi32>
      %gather3A_389 = tpu.vector_load_idx %arg5[%add3A_164, %broadcast_in_dim3A_388] : memref<32x320xf32, #tpu.memory_space<vmem>>[vector<16xi32>, vector<16xi32>], vector<16xf32>,
      %max3A_390 = arith.maximumf %max3A_364, %gather3A_389 : vector<16xf32>
      %min3A_391 = arith.minimumf %max3A_364, %gather3A_389 : vector<16xf32>
      %max3A_392 = arith.maximumf %max3A_366, %min3A_391 : vector<16xf32>
      %min3A_393 = arith.minimumf %max3A_366, %min3A_391 : vector<16xf32>
      %max3A_394 = arith.maximumf %max3A_368, %min3A_393 : vector<16xf32>
      %min3A_395 = arith.minimumf %max3A_368, %min3A_393 : vector<16xf32>
      %max3A_396 = arith.maximumf %max3A_370, %min3A_395 : vector<16xf32>
      %min3A_397 = arith.minimumf %max3A_370, %min3A_395 : vector<16xf32>
      %max3A_398 = arith.maximumf %max3A_372, %min3A_397 : vector<16xf32>
      %min3A_399 = arith.minimumf %max3A_372, %min3A_397 : vector<16xf32>
      %max3A_400 = arith.maximumf %max3A_374, %min3A_399 : vector<16xf32>
      %min3A_401 = arith.minimumf %max3A_374, %min3A_399 : vector<16xf32>
      %max3A_402 = arith.maximumf %max3A_376, %min3A_401 : vector<16xf32>
      %min3A_403 = arith.minimumf %max3A_376, %min3A_401 : vector<16xf32>
      %max3A_404 = arith.maximumf %max3A_378, %min3A_403 : vector<16xf32>
      %min3A_405 = arith.minimumf %max3A_378, %min3A_403 : vector<16xf32>
      %max3A_406 = arith.maximumf %max3A_380, %min3A_405 : vector<16xf32>
      %min3A_407 = arith.minimumf %max3A_380, %min3A_405 : vector<16xf32>
      %max3A_408 = arith.maximumf %max3A_382, %min3A_407 : vector<16xf32>
      %min3A_409 = arith.minimumf %max3A_382, %min3A_407 : vector<16xf32>
      %mul3A_410 = arith.constant 4 : i32
      %mul3A_411 = arith.muli %scan3A_323, %mul3A_410 : i32
      %add3A_412 = arith.constant 3 : i32
      %add3A_413 = arith.addi %mul3A_411, %add3A_412 : i32
      %broadcast_in_dim3A_414 = vector.broadcast %add3A_413 : i32 to vector<16xi32>
      %gather3A_415 = tpu.vector_load_idx %arg5[%add3A_164, %broadcast_in_dim3A_414] : memref<32x320xf32, #tpu.memory_space<vmem>>[vector<16xi32>, vector<16xi32>], vector<16xf32>,
      %max3A_416 = arith.maximumf %max3A_390, %gather3A_415 : vector<16xf32>
      %min3A_417 = arith.minimumf %max3A_390, %gather3A_415 : vector<16xf32>
      %max3A_418 = arith.maximumf %max3A_392, %min3A_417 : vector<16xf32>
      %min3A_419 = arith.minimumf %max3A_392, %min3A_417 : vector<16xf32>
      %max3A_420 = arith.maximumf %max3A_394, %min3A_419 : vector<16xf32>
      %min3A_421 = arith.minimumf %max3A_394, %min3A_419 : vector<16xf32>
      %max3A_422 = arith.maximumf %max3A_396, %min3A_421 : vector<16xf32>
      %min3A_423 = arith.minimumf %max3A_396, %min3A_421 : vector<16xf32>
      %max3A_424 = arith.maximumf %max3A_398, %min3A_423 : vector<16xf32>
      %min3A_425 = arith.minimumf %max3A_398, %min3A_423 : vector<16xf32>
      %max3A_426 = arith.maximumf %max3A_400, %min3A_425 : vector<16xf32>
      %min3A_427 = arith.minimumf %max3A_400, %min3A_425 : vector<16xf32>
      %max3A_428 = arith.maximumf %max3A_402, %min3A_427 : vector<16xf32>
      %min3A_429 = arith.minimumf %max3A_402, %min3A_427 : vector<16xf32>
      %max3A_430 = arith.maximumf %max3A_404, %min3A_429 : vector<16xf32>
      %min3A_431 = arith.minimumf %max3A_404, %min3A_429 : vector<16xf32>
      %max3A_432 = arith.maximumf %max3A_406, %min3A_431 : vector<16xf32>
      %min3A_433 = arith.minimumf %max3A_406, %min3A_431 : vector<16xf32>
      %max3A_434 = arith.maximumf %max3A_408, %min3A_433 : vector<16xf32>
      %min3A_435 = arith.minimumf %max3A_408, %min3A_433 : vector<16xf32>
      scf.yield %max3A_416, %max3A_418, %max3A_420, %max3A_422, %max3A_424, %max3A_426, %max3A_428, %max3A_430, %max3A_432, %max3A_434 : vector<16xf32>, vector<16xf32>, vector<16xf32>, vector<16xf32>, vector<16xf32>, vector<16xf32>, vector<16xf32>, vector<16xf32>, vector<16xf32>, vector<16xf32>
    }
    %scan3A_170 = arith.constant 80 : i32
    %broadcast_in_dim3A_171 = arith.constant 0.000000e+00 : f32
    %broadcast_in_dim3A_172 = vector.broadcast %broadcast_in_dim3A_171 : f32 to vector<16xf32>
    %max3A_173 = arith.constant 0.000000e+00 : f32
    %max3A_174 = vector.broadcast %max3A_173 : f32 to vector<16xf32>
    %max3A_175 = arith.maximumf %scan3A_169#0, %max3A_174 : vector<16xf32>
    %div3A_176 = arith.divf %max3A_175, %mul3A_6 : vector<16xf32>
    %add3A_177 = arith.constant 9.99999974E-6 : f32
    %add3A_178 = vector.broadcast %add3A_177 : f32 to vector<16xf32>
    %add3A_179 = arith.addf %div3A_176, %add3A_178 : vector<16xf32>
    %div3A_180 = arith.constant 9.99999974E-6 : f32
    %div3A_181 = vector.broadcast %div3A_180 : f32 to vector<16xf32>
    %div3A_182 = arith.divf %div3A_181, %add3A_179 : vector<16xf32>
    %add3A_183 = arith.addf %broadcast_in_dim3A_172, %div3A_182 : vector<16xf32>
    %max3A_184 = arith.constant 0.000000e+00 : f32
    %max3A_185 = vector.broadcast %max3A_184 : f32 to vector<16xf32>
    %max3A_186 = arith.maximumf %scan3A_169#1, %max3A_185 : vector<16xf32>
    %div3A_187 = arith.divf %max3A_186, %mul3A_6 : vector<16xf32>
    %add3A_188 = arith.constant 9.99999974E-6 : f32
    %add3A_189 = vector.broadcast %add3A_188 : f32 to vector<16xf32>
    %add3A_190 = arith.addf %div3A_187, %add3A_189 : vector<16xf32>
    %div3A_191 = arith.constant 9.99999974E-6 : f32
    %div3A_192 = vector.broadcast %div3A_191 : f32 to vector<16xf32>
    %div3A_193 = arith.divf %div3A_192, %add3A_190 : vector<16xf32>
    %add3A_194 = arith.addf %add3A_183, %div3A_193 : vector<16xf32>
    %max3A_195 = arith.constant 0.000000e+00 : f32
    %max3A_196 = vector.broadcast %max3A_195 : f32 to vector<16xf32>
    %max3A_197 = arith.maximumf %scan3A_169#2, %max3A_196 : vector<16xf32>
    %div3A_198 = arith.divf %max3A_197, %mul3A_6 : vector<16xf32>
    %add3A_199 = arith.constant 9.99999974E-6 : f32
    %add3A_200 = vector.broadcast %add3A_199 : f32 to vector<16xf32>
    %add3A_201 = arith.addf %div3A_198, %add3A_200 : vector<16xf32>
    %div3A_202 = arith.constant 9.99999974E-6 : f32
    %div3A_203 = vector.broadcast %div3A_202 : f32 to vector<16xf32>
    %div3A_204 = arith.divf %div3A_203, %add3A_201 : vector<16xf32>
    %add3A_205 = arith.addf %add3A_194, %div3A_204 : vector<16xf32>
    %max3A_206 = arith.constant 0.000000e+00 : f32
    %max3A_207 = vector.broadcast %max3A_206 : f32 to vector<16xf32>
    %max3A_208 = arith.maximumf %scan3A_169#3, %max3A_207 : vector<16xf32>
    %div3A_209 = arith.divf %max3A_208, %mul3A_6 : vector<16xf32>
    %add3A_210 = arith.constant 9.99999974E-6 : f32
    %add3A_211 = vector.broadcast %add3A_210 : f32 to vector<16xf32>
    %add3A_212 = arith.addf %div3A_209, %add3A_211 : vector<16xf32>
    %div3A_213 = arith.constant 9.99999974E-6 : f32
    %div3A_214 = vector.broadcast %div3A_213 : f32 to vector<16xf32>
    %div3A_215 = arith.divf %div3A_214, %add3A_212 : vector<16xf32>
    %add3A_216 = arith.addf %add3A_205, %div3A_215 : vector<16xf32>
    %max3A_217 = arith.constant 0.000000e+00 : f32
    %max3A_218 = vector.broadcast %max3A_217 : f32 to vector<16xf32>
    %max3A_219 = arith.maximumf %scan3A_169#4, %max3A_218 : vector<16xf32>
    %div3A_220 = arith.divf %max3A_219, %mul3A_6 : vector<16xf32>
    %add3A_221 = arith.constant 9.99999974E-6 : f32
    %add3A_222 = vector.broadcast %add3A_221 : f32 to vector<16xf32>
    %add3A_223 = arith.addf %div3A_220, %add3A_222 : vector<16xf32>
    %div3A_224 = arith.constant 9.99999974E-6 : f32
    %div3A_225 = vector.broadcast %div3A_224 : f32 to vector<16xf32>
    %div3A_226 = arith.divf %div3A_225, %add3A_223 : vector<16xf32>
    %add3A_227 = arith.addf %add3A_216, %div3A_226 : vector<16xf32>
    %max3A_228 = arith.constant 0.000000e+00 : f32
    %max3A_229 = vector.broadcast %max3A_228 : f32 to vector<16xf32>
    %max3A_230 = arith.maximumf %scan3A_169#5, %max3A_229 : vector<16xf32>
    %div3A_231 = arith.divf %max3A_230, %mul3A_6 : vector<16xf32>
    %add3A_232 = arith.constant 9.99999974E-6 : f32
    %add3A_233 = vector.broadcast %add3A_232 : f32 to vector<16xf32>
    %add3A_234 = arith.addf %div3A_231, %add3A_233 : vector<16xf32>
    %div3A_235 = arith.constant 9.99999974E-6 : f32
    %div3A_236 = vector.broadcast %div3A_235 : f32 to vector<16xf32>
    %div3A_237 = arith.divf %div3A_236, %add3A_234 : vector<16xf32>
    %add3A_238 = arith.addf %add3A_227, %div3A_237 : vector<16xf32>
    %max3A_239 = arith.constant 0.000000e+00 : f32
    %max3A_240 = vector.broadcast %max3A_239 : f32 to vector<16xf32>
    %max3A_241 = arith.maximumf %scan3A_169#6, %max3A_240 : vector<16xf32>
    %div3A_242 = arith.divf %max3A_241, %mul3A_6 : vector<16xf32>
    %add3A_243 = arith.constant 9.99999974E-6 : f32
    %add3A_244 = vector.broadcast %add3A_243 : f32 to vector<16xf32>
    %add3A_245 = arith.addf %div3A_242, %add3A_244 : vector<16xf32>
    %div3A_246 = arith.constant 9.99999974E-6 : f32
    %div3A_247 = vector.broadcast %div3A_246 : f32 to vector<16xf32>
    %div3A_248 = arith.divf %div3A_247, %add3A_245 : vector<16xf32>
    %add3A_249 = arith.addf %add3A_238, %div3A_248 : vector<16xf32>
    %max3A_250 = arith.constant 0.000000e+00 : f32
    %max3A_251 = vector.broadcast %max3A_250 : f32 to vector<16xf32>
    %max3A_252 = arith.maximumf %scan3A_169#7, %max3A_251 : vector<16xf32>
    %div3A_253 = arith.divf %max3A_252, %mul3A_6 : vector<16xf32>
    %add3A_254 = arith.constant 9.99999974E-6 : f32
    %add3A_255 = vector.broadcast %add3A_254 : f32 to vector<16xf32>
    %add3A_256 = arith.addf %div3A_253, %add3A_255 : vector<16xf32>
    %div3A_257 = arith.constant 9.99999974E-6 : f32
    %div3A_258 = vector.broadcast %div3A_257 : f32 to vector<16xf32>
    %div3A_259 = arith.divf %div3A_258, %add3A_256 : vector<16xf32>
    %add3A_260 = arith.addf %add3A_249, %div3A_259 : vector<16xf32>
    %max3A_261 = arith.constant 0.000000e+00 : f32
    %max3A_262 = vector.broadcast %max3A_261 : f32 to vector<16xf32>
    %max3A_263 = arith.maximumf %scan3A_169#8, %max3A_262 : vector<16xf32>
    %div3A_264 = arith.divf %max3A_263, %mul3A_6 : vector<16xf32>
    %add3A_265 = arith.constant 9.99999974E-6 : f32
    %add3A_266 = vector.broadcast %add3A_265 : f32 to vector<16xf32>
    %add3A_267 = arith.addf %div3A_264, %add3A_266 : vector<16xf32>
    %div3A_268 = arith.constant 9.99999974E-6 : f32
    %div3A_269 = vector.broadcast %div3A_268 : f32 to vector<16xf32>
    %div3A_270 = arith.divf %div3A_269, %add3A_267 : vector<16xf32>
    %add3A_271 = arith.addf %add3A_260, %div3A_270 : vector<16xf32>
    %max3A_272 = arith.constant 0.000000e+00 : f32
    %max3A_273 = vector.broadcast %max3A_272 : f32 to vector<16xf32>
    %max3A_274 = arith.maximumf %scan3A_169#9, %max3A_273 : vector<16xf32>
    %div3A_275 = arith.divf %max3A_274, %mul3A_6 : vector<16xf32>
    %add3A_276 = arith.constant 9.99999974E-6 : f32
    %add3A_277 = vector.broadcast %add3A_276 : f32 to vector<16xf32>
    %add3A_278 = arith.addf %div3A_275, %add3A_277 : vector<16xf32>
    %div3A_279 = arith.constant 9.99999974E-6 : f32
    %div3A_280 = vector.broadcast %div3A_279 : f32 to vector<16xf32>
    %div3A_281 = arith.divf %div3A_280, %add3A_278 : vector<16xf32>
    %add3A_282 = arith.addf %add3A_271, %div3A_281 : vector<16xf32>
    %add3A_283 = arith.constant 9.99999974E-6 : f32
    %add3A_284 = vector.broadcast %add3A_283 : f32 to vector<16xf32>
    %add3A_285 = arith.addf %add3A_282, %add3A_284 : vector<16xf32>
    %bitcast3A_286 = vector.bitcast %add3A_285 : vector<16xf32> to vector<16xi32>
    %shift_right_arithmetic3A_287 = arith.constant 1 : i32
    %shift_right_arithmetic3A_288 = vector.broadcast %shift_right_arithmetic3A_287 : i32 to vector<16xi32>
    %shift_right_arithmetic3A_289 = arith.shrsi %bitcast3A_286, %shift_right_arithmetic3A_288 : vector<16xi32>
    %sub3A_290 = arith.constant 1597463007 : i32
    %sub3A_291 = vector.broadcast %sub3A_290 : i32 to vector<16xi32>
    %sub3A_292 = arith.subi %sub3A_291, %shift_right_arithmetic3A_289 : vector<16xi32>
    %bitcast3A_293 = vector.bitcast %sub3A_292 : vector<16xi32> to vector<16xf32>
    %mul3A_294 = arith.constant 5.000000e-01 : f32
    %mul3A_295 = vector.broadcast %mul3A_294 : f32 to vector<16xf32>
    %mul3A_296 = arith.mulf %mul3A_295, %add3A_285 : vector<16xf32>
    %mul3A_297 = arith.mulf %mul3A_296, %bitcast3A_293 : vector<16xf32>
    %mul3A_298 = arith.mulf %mul3A_297, %bitcast3A_293 : vector<16xf32>
    %sub3A_299 = arith.constant 1.500000e+00 : f32
    %sub3A_300 = vector.broadcast %sub3A_299 : f32 to vector<16xf32>
    %sub3A_301 = arith.subf %sub3A_300, %mul3A_298 : vector<16xf32>
    %mul3A_302 = arith.mulf %bitcast3A_293, %sub3A_301 : vector<16xf32>
    %mul3A_303 = arith.constant 5.000000e-01 : f32
    %mul3A_304 = vector.broadcast %mul3A_303 : f32 to vector<16xf32>
    %mul3A_305 = arith.mulf %mul3A_304, %add3A_285 : vector<16xf32>
    %mul3A_306 = arith.mulf %mul3A_305, %mul3A_302 : vector<16xf32>
    %mul3A_307 = arith.mulf %mul3A_306, %mul3A_302 : vector<16xf32>
    %sub3A_308 = arith.constant 1.500000e+00 : f32
    %sub3A_309 = vector.broadcast %sub3A_308 : f32 to vector<16xf32>
    %sub3A_310 = arith.subf %sub3A_309, %mul3A_307 : vector<16xf32>
    %mul3A_311 = arith.mulf %mul3A_302, %sub3A_310 : vector<16xf32>
    %mul3A_312 = arith.constant 5.000000e-01 : f32
    %mul3A_313 = vector.broadcast %mul3A_312 : f32 to vector<16xf32>
    %mul3A_314 = arith.mulf %mul3A_313, %add3A_285 : vector<16xf32>
    %mul3A_315 = arith.mulf %mul3A_314, %mul3A_311 : vector<16xf32>
    %mul3A_316 = arith.mulf %mul3A_315, %mul3A_311 : vector<16xf32>
    %sub3A_317 = arith.constant 1.500000e+00 : f32
    %sub3A_318 = vector.broadcast %sub3A_317 : f32 to vector<16xf32>
    %sub3A_319 = arith.subf %sub3A_318, %mul3A_316 : vector<16xf32>
    %mul3A_320 = arith.mulf %mul3A_311, %sub3A_319 : vector<16xf32>
    %swap3A_321 = arith.constant 16 : index
    %swap3A_322 = tpu.vector_load %arg7[%swap3A_321] {strides = array<i32>} : memref<32xf32, #tpu.memory_space<vmem>>, vector<16xf32>,
    tpu.vector_store %arg7[%swap3A_321], %mul3A_320 {strides = array<i32>} : memref<32xf32, #tpu.memory_space<vmem>>, vector<16xf32>,
    "tpu.region"() ({
      %run_scoped3A_323 = tpu.sem_alloc : memref<!tpu.dma_semaphore, #tpu.memory_space<semaphore_mem>>
      %dma_start3A = tpu.memref_slice %arg4[%mul3A_2] : memref<1024xf32, #tpu.memory_space<hbm>> -> memref<32xf32, #tpu.memory_space<hbm>>
      %dma_start3A_324 = tpu.memref_slice %arg4[%mul3A_2] : memref<1024xf32, #tpu.memory_space<hbm>> -> memref<32xf32, #tpu.memory_space<hbm>>
      tpu.enqueue_dma source(%arg7 : memref<32xf32, #tpu.memory_space<vmem>>) target(%dma_start3A_324 : memref<32xf32, #tpu.memory_space<hbm>>) target_semaphore(%run_scoped3A_323 : memref<!tpu.dma_semaphore, #tpu.memory_space<semaphore_mem>>)
      %dma_wait3A = tpu.memref_slice %arg4[%mul3A_2] : memref<1024xf32, #tpu.memory_space<hbm>> -> memref<32xf32, #tpu.memory_space<hbm>>
      %dma_wait3A_325 = tpu.memref_slice %arg4[%mul3A_2] : memref<1024xf32, #tpu.memory_space<hbm>> -> memref<32xf32, #tpu.memory_space<hbm>>
      tpu.wait_dma2 semaphore(%run_scoped3A_323 : memref<!tpu.dma_semaphore, #tpu.memory_space<semaphore_mem>>) src(%arg7 : memref<32xf32, #tpu.memory_space<vmem>>) dst(%dma_wait3A_325 : memref<32xf32, #tpu.memory_space<hbm>>)
      tpu.yield
    }) : () -> ()
    return
  }
}

module attributes {stable_mosaic.version = 14 : i64} {
  func.func @_tc_body(%arg0: i32, %arg1: memref<1024x128xf32, #tpu.memory_space<vmem>>, %arg2: memref<2048x128xf32, #tpu.memory_space<vmem>>, %arg3: memref<1024x320xf32, #tpu.memory_space<vmem>>, %arg4: memref<1x128xf32, #tpu.memory_space<vmem>>, %arg5: memref<1024x1280xf32, #tpu.memory_space<vmem>>, %arg6: memref<1024x1xf32, #tpu.memory_space<vmem>>, %arg7: memref<1024x128xf32, #tpu.memory_space<vmem>>, %arg8: memref<1xf32, #tpu.memory_space<smem>>, %arg9: memref<1xf32, #tpu.memory_space<smem>>, %arg10: memref<1x128xf32, #tpu.memory_space<vmem>>) attributes {dimension_semantics = [#tpu.dimension_semantics<arbitrary>], iteration_bounds = array<i64: 49>, scalar_prefetch = 0 : i64, scratch_operands = 6 : i64, tpu.core_type = #tpu.core_type<tc>, window_params = [{pipeline_mode = #tpu.pipeline_mode<synchronous>, transform_indices = @transform_0, window_bounds = array<i64: 1024, 128>}, {transform_indices = @transform_1, window_bounds = array<i64: 2048, 128>}, {pipeline_mode = #tpu.pipeline_mode<synchronous>, transform_indices = @transform_2, window_bounds = array<i64: 1024, 320>}, {pipeline_mode = #tpu.pipeline_mode<synchronous>, transform_indices = @transform_3, window_bounds = array<i64: 1, 128>}]} {
    %eq3A = arith.constant 0 : i32
    %eq3A_0 = arith.cmpi eq, %arg0, %eq3A : i32
    %convert_element_type3A = arith.extui %eq3A_0 : i1 to i32
    %cond3A = arith.constant 0 : i32
    %cond3A_1 = arith.cmpi ne, %convert_element_type3A, %cond3A : i32
    scf.if %cond3A_1 {
      %broadcast_in_dim3A_300 = arith.constant 0xFF800000 : f32
      %broadcast_in_dim3A_301 = vector.broadcast %broadcast_in_dim3A_300 : f32 to vector<1024x128xf32>
      %swap3A_302 = arith.constant 0 : index
      %swap3A_303 = arith.constant 0 : index
      %swap3A_304 = vector.load %arg5[%swap3A_302, %swap3A_303] : memref<1024x1280xf32, #tpu.memory_space<vmem>>, vector<1024x128xf32>
      tpu.vector_store %arg5[%swap3A_302, %swap3A_303], %broadcast_in_dim3A_301 {strides = array<i32>} : memref<1024x1280xf32, #tpu.memory_space<vmem>>, vector<1024x128xf32>,
      %broadcast_in_dim3A_305 = arith.constant 0xFF800000 : f32
      %broadcast_in_dim3A_306 = vector.broadcast %broadcast_in_dim3A_305 : f32 to vector<1024x128xf32>
      %swap3A_307 = arith.constant 0 : index
      %swap3A_308 = arith.constant 128 : index
      %swap3A_309 = vector.load %arg5[%swap3A_307, %swap3A_308] : memref<1024x1280xf32, #tpu.memory_space<vmem>>, vector<1024x128xf32>
      tpu.vector_store %arg5[%swap3A_307, %swap3A_308], %broadcast_in_dim3A_306 {strides = array<i32>} : memref<1024x1280xf32, #tpu.memory_space<vmem>>, vector<1024x128xf32>,
      %broadcast_in_dim3A_310 = arith.constant 0xFF800000 : f32
      %broadcast_in_dim3A_311 = vector.broadcast %broadcast_in_dim3A_310 : f32 to vector<1024x128xf32>
      %swap3A_312 = arith.constant 0 : index
      %swap3A_313 = arith.constant 256 : index
      %swap3A_314 = vector.load %arg5[%swap3A_312, %swap3A_313] : memref<1024x1280xf32, #tpu.memory_space<vmem>>, vector<1024x128xf32>
      tpu.vector_store %arg5[%swap3A_312, %swap3A_313], %broadcast_in_dim3A_311 {strides = array<i32>} : memref<1024x1280xf32, #tpu.memory_space<vmem>>, vector<1024x128xf32>,
      %broadcast_in_dim3A_315 = arith.constant 0xFF800000 : f32
      %broadcast_in_dim3A_316 = vector.broadcast %broadcast_in_dim3A_315 : f32 to vector<1024x128xf32>
      %swap3A_317 = arith.constant 0 : index
      %swap3A_318 = arith.constant 384 : index
      %swap3A_319 = vector.load %arg5[%swap3A_317, %swap3A_318] : memref<1024x1280xf32, #tpu.memory_space<vmem>>, vector<1024x128xf32>
      tpu.vector_store %arg5[%swap3A_317, %swap3A_318], %broadcast_in_dim3A_316 {strides = array<i32>} : memref<1024x1280xf32, #tpu.memory_space<vmem>>, vector<1024x128xf32>,
      %broadcast_in_dim3A_320 = arith.constant 0xFF800000 : f32
      %broadcast_in_dim3A_321 = vector.broadcast %broadcast_in_dim3A_320 : f32 to vector<1024x128xf32>
      %swap3A_322 = arith.constant 0 : index
      %swap3A_323 = arith.constant 512 : index
      %swap3A_324 = vector.load %arg5[%swap3A_322, %swap3A_323] : memref<1024x1280xf32, #tpu.memory_space<vmem>>, vector<1024x128xf32>
      tpu.vector_store %arg5[%swap3A_322, %swap3A_323], %broadcast_in_dim3A_321 {strides = array<i32>} : memref<1024x1280xf32, #tpu.memory_space<vmem>>, vector<1024x128xf32>,
      %broadcast_in_dim3A_325 = arith.constant 0xFF800000 : f32
      %broadcast_in_dim3A_326 = vector.broadcast %broadcast_in_dim3A_325 : f32 to vector<1024x128xf32>
      %swap3A_327 = arith.constant 0 : index
      %swap3A_328 = arith.constant 640 : index
      %swap3A_329 = vector.load %arg5[%swap3A_327, %swap3A_328] : memref<1024x1280xf32, #tpu.memory_space<vmem>>, vector<1024x128xf32>
      tpu.vector_store %arg5[%swap3A_327, %swap3A_328], %broadcast_in_dim3A_326 {strides = array<i32>} : memref<1024x1280xf32, #tpu.memory_space<vmem>>, vector<1024x128xf32>,
      %broadcast_in_dim3A_330 = arith.constant 0xFF800000 : f32
      %broadcast_in_dim3A_331 = vector.broadcast %broadcast_in_dim3A_330 : f32 to vector<1024x128xf32>
      %swap3A_332 = arith.constant 0 : index
      %swap3A_333 = arith.constant 768 : index
      %swap3A_334 = vector.load %arg5[%swap3A_332, %swap3A_333] : memref<1024x1280xf32, #tpu.memory_space<vmem>>, vector<1024x128xf32>
      tpu.vector_store %arg5[%swap3A_332, %swap3A_333], %broadcast_in_dim3A_331 {strides = array<i32>} : memref<1024x1280xf32, #tpu.memory_space<vmem>>, vector<1024x128xf32>,
      %broadcast_in_dim3A_335 = arith.constant 0xFF800000 : f32
      %broadcast_in_dim3A_336 = vector.broadcast %broadcast_in_dim3A_335 : f32 to vector<1024x128xf32>
      %swap3A_337 = arith.constant 0 : index
      %swap3A_338 = arith.constant 896 : index
      %swap3A_339 = vector.load %arg5[%swap3A_337, %swap3A_338] : memref<1024x1280xf32, #tpu.memory_space<vmem>>, vector<1024x128xf32>
      tpu.vector_store %arg5[%swap3A_337, %swap3A_338], %broadcast_in_dim3A_336 {strides = array<i32>} : memref<1024x1280xf32, #tpu.memory_space<vmem>>, vector<1024x128xf32>,
      %broadcast_in_dim3A_340 = arith.constant 0xFF800000 : f32
      %broadcast_in_dim3A_341 = vector.broadcast %broadcast_in_dim3A_340 : f32 to vector<1024x128xf32>
      %swap3A_342 = arith.constant 0 : index
      %swap3A_343 = arith.constant 1024 : index
      %swap3A_344 = vector.load %arg5[%swap3A_342, %swap3A_343] : memref<1024x1280xf32, #tpu.memory_space<vmem>>, vector<1024x128xf32>
      tpu.vector_store %arg5[%swap3A_342, %swap3A_343], %broadcast_in_dim3A_341 {strides = array<i32>} : memref<1024x1280xf32, #tpu.memory_space<vmem>>, vector<1024x128xf32>,
      %broadcast_in_dim3A_345 = arith.constant 0xFF800000 : f32
      %broadcast_in_dim3A_346 = vector.broadcast %broadcast_in_dim3A_345 : f32 to vector<1024x128xf32>
      %swap3A_347 = arith.constant 0 : index
      %swap3A_348 = arith.constant 1152 : index
      %swap3A_349 = vector.load %arg5[%swap3A_347, %swap3A_348] : memref<1024x1280xf32, #tpu.memory_space<vmem>>, vector<1024x128xf32>
      tpu.vector_store %arg5[%swap3A_347, %swap3A_348], %broadcast_in_dim3A_346 {strides = array<i32>} : memref<1024x1280xf32, #tpu.memory_space<vmem>>, vector<1024x128xf32>,
      %get3A_350 = arith.constant 0 : index
      %get3A_351 = arith.constant 0 : index
      %get3A_352 = vector.load %arg1[%get3A_350, %get3A_351] : memref<1024x128xf32, #tpu.memory_space<vmem>>, vector<1024x128xf32>
      %mul3A_353 = arith.mulf %get3A_352, %get3A_352 : vector<1024x128xf32>
      %reduce_sum3A_354 = arith.constant dense<0.000000e+00> : vector<1024xf32>
      %reduce_sum3A_355 = vector.multi_reduction <add>, %mul3A_353, %reduce_sum3A_354 [1] : vector<1024x128xf32> to vector<1024xf32>
      %broadcast_in_dim3A_356 = vector.shape_cast %reduce_sum3A_355 : vector<1024xf32> to vector<1024x1xf32>
      %swap3A_357 = arith.constant 0 : index
      %swap3A_358 = arith.constant 0 : index
      %swap3A_359 = vector.load %arg6[%swap3A_357, %swap3A_358] : memref<1024x1xf32, #tpu.memory_space<vmem>>, vector<1024x1xf32>
      tpu.vector_store %arg6[%swap3A_357, %swap3A_358], %broadcast_in_dim3A_356 {strides = array<i32>} : memref<1024x1xf32, #tpu.memory_space<vmem>>, vector<1024x1xf32>,
      %mul3A_360 = arith.constant -2.000000e+00 : f32
      %mul3A_361 = vector.broadcast %mul3A_360 : f32 to vector<1024x128xf32>
      %mul3A_362 = arith.mulf %get3A_352, %mul3A_361 : vector<1024x128xf32>
      %swap3A_363 = arith.constant 0 : index
      %swap3A_364 = arith.constant 0 : index
      %swap3A_365 = vector.load %arg7[%swap3A_363, %swap3A_364] : memref<1024x128xf32, #tpu.memory_space<vmem>>, vector<1024x128xf32>
      tpu.vector_store %arg7[%swap3A_363, %swap3A_364], %mul3A_362 {strides = array<i32>} : memref<1024x128xf32, #tpu.memory_space<vmem>>, vector<1024x128xf32>,
      %reduce_sum3A_366 = arith.constant dense<0.000000e+00> : vector<128xf32>
      %reduce_sum3A_367 = vector.multi_reduction <add>, %get3A_352, %reduce_sum3A_366 [0] : vector<1024x128xf32> to vector<128xf32>
      %broadcast_in_dim3A_368 = vector.shape_cast %reduce_sum3A_367 : vector<128xf32> to vector<1x128xf32>
      %swap3A_369 = arith.constant 0 : index
      %swap3A_370 = arith.constant 0 : index
      %swap3A_371 = vector.load %arg10[%swap3A_369, %swap3A_370] : memref<1x128xf32, #tpu.memory_space<vmem>>, vector<1x128xf32>
      tpu.vector_store %arg10[%swap3A_369, %swap3A_370], %broadcast_in_dim3A_368 {strides = array<i32>} : memref<1x128xf32, #tpu.memory_space<vmem>>, vector<1x128xf32>,
      %swap3A_372 = arith.constant 0.000000e+00 : f32
      %swap3A_373 = arith.constant 0 : index
      %swap3A_374 = memref.load %arg8[%swap3A_373] : memref<1xf32, #tpu.memory_space<smem>>
      memref.store %swap3A_372, %arg8[%swap3A_373] : memref<1xf32, #tpu.memory_space<smem>>
      %reduce_sum3A_375 = vector.shape_cast %broadcast_in_dim3A_356 : vector<1024x1xf32> to vector<1x1024x1xf32>
      %reduce_sum3A_376 = arith.constant dense<0.000000e+00> : vector<1xf32>
      %reduce_sum3A_377 = vector.multi_reduction <add>, %reduce_sum3A_375, %reduce_sum3A_376 [1, 2] : vector<1x1024x1xf32> to vector<1xf32>
      %reduce_sum3A_378 = vector.shape_cast %reduce_sum3A_377 : vector<1xf32> to vector<1x1x1xf32>
      %reduce_sum3A_379 = vector.extract %reduce_sum3A_378[0, 0, 0] : f32 from vector<1x1x1xf32>
      %swap3A_380 = arith.constant 0 : index
      %swap3A_381 = memref.load %arg9[%swap3A_380] : memref<1xf32, #tpu.memory_space<smem>>
      memref.store %reduce_sum3A_379, %arg9[%swap3A_380] : memref<1xf32, #tpu.memory_space<smem>>
    } else {
    }
    %get3A = arith.constant 0 : index
    %get3A_2 = arith.constant 0 : index
    %get3A_3 = vector.load %arg2[%get3A, %get3A_2] : memref<2048x128xf32, #tpu.memory_space<vmem>>, vector<2048x128xf32>
    %mul3A = arith.constant 2048 : i32
    %mul3A_4 = arith.muli %arg0, %mul3A : i32
    %iota3A = tpu.iota {dimensions = array<i32: 0>} : vector<2048x1xi32>
    %add3A = vector.broadcast %mul3A_4 : i32 to vector<2048x1xi32>
    %add3A_5 = arith.addi %add3A, %iota3A : vector<2048x1xi32>
    %lt3A = arith.constant 100000 : i32
    %lt3A_6 = vector.broadcast %lt3A : i32 to vector<2048x1xi32>
    %lt3A_7 = arith.cmpi slt, %add3A_5, %lt3A_6 : vector<2048x1xi32>
    %jit3A = arith.constant 0.000000e+00 : f32
    %broadcast_in_dim3A = vector.shape_cast %lt3A_7 : vector<2048x1xi1> to vector<2048x1xi1>
    %broadcast_in_dim3A_8 = vector.broadcast %broadcast_in_dim3A : vector<2048x1xi1> to vector<2048x128xi1>
    %broadcast_in_dim3A_9 = vector.broadcast %jit3A : f32 to vector<2048x128xf32>
    %select_n3A = arith.select %broadcast_in_dim3A_8, %get3A_3, %broadcast_in_dim3A_9 : vector<2048x128xi1>, vector<2048x128xf32>
    %get3A_10 = arith.constant 0 : index
    %get3A_11 = arith.constant 0 : index
    %get3A_12 = vector.load %arg7[%get3A_10, %get3A_11] : memref<1024x128xf32, #tpu.memory_space<vmem>>, vector<1024x128xf32>
    %dot_general3A = arith.constant dense<0.000000e+00> : vector<1024x2048xf32>
    %dot_general3A_13 = tpu.matmul %get3A_12, %select_n3A, %dot_general3A {dimension_numbers = #tpu.dot_dimension_numbers<[1], [1], [0], [0], [0, 0, 1, 0], [], []>, transpose_lhs_hint = false} : vector<1024x128xf32>, vector<2048x128xf32>, vector<1024x2048xf32> -> vector<1024x2048xf32>
    %mul3A_14 = arith.mulf %select_n3A, %select_n3A : vector<2048x128xf32>
    %reduce_sum3A = arith.constant dense<0.000000e+00> : vector<2048xf32>
    %reduce_sum3A_15 = vector.multi_reduction <add>, %mul3A_14, %reduce_sum3A [1] : vector<2048x128xf32> to vector<2048xf32>
    %mul3A_16 = arith.constant 2048 : i32
    %mul3A_17 = arith.muli %arg0, %mul3A_16 : i32
    %iota3A_18 = tpu.iota {dimensions = array<i32: 1>} : vector<1x2048xi32>
    %add3A_19 = vector.broadcast %mul3A_17 : i32 to vector<1x2048xi32>
    %add3A_20 = arith.addi %add3A_19, %iota3A_18 : vector<1x2048xi32>
    %lt3A_21 = arith.constant 100000 : i32
    %lt3A_22 = vector.broadcast %lt3A_21 : i32 to vector<1x2048xi32>
    %lt3A_23 = arith.cmpi slt, %add3A_20, %lt3A_22 : vector<1x2048xi32>
    %broadcast_in_dim3A_24 = vector.shape_cast %reduce_sum3A_15 : vector<2048xf32> to vector<1x2048xf32>
    %jit3A_25 = arith.constant 0xFF800000 : f32
    %broadcast_in_dim3A_26 = vector.broadcast %jit3A_25 : f32 to vector<1x2048xf32>
    %select_n3A_27 = arith.select %lt3A_23, %broadcast_in_dim3A_24, %broadcast_in_dim3A_26 : vector<1x2048xi1>, vector<1x2048xf32>
    %add3A_28 = vector.broadcast %select_n3A_27 : vector<1x2048xf32> to vector<1024x2048xf32>
    %add3A_29 = arith.addf %add3A_28, %dot_general3A_13 : vector<1024x2048xf32>
    %mul3A_30 = arith.constant 2048 : i32
    %mul3A_31 = arith.muli %arg0, %mul3A_30 : i32
    %sub3A = arith.constant 100000 : i32
    %sub3A_32 = arith.subi %sub3A, %mul3A_31 : i32
    %min3A = arith.constant 2048 : i32
    %min3A_33 = arith.minsi %sub3A_32, %min3A : i32
    %convert_element_type3A_34 = arith.sitofp %min3A_33 : i32 to f32
    %reduce_sum3A_35 = vector.shape_cast %reduce_sum3A_15 : vector<2048xf32> to vector<1x2048xf32>
    %reduce_sum3A_36 = arith.constant dense<0.000000e+00> : vector<1xf32>
    %reduce_sum3A_37 = vector.multi_reduction <add>, %reduce_sum3A_35, %reduce_sum3A_36 [1] : vector<1x2048xf32> to vector<1xf32>
    %reduce_sum3A_38 = vector.shape_cast %reduce_sum3A_37 : vector<1xf32> to vector<1x1xf32>
    %reduce_sum3A_39 = vector.extract %reduce_sum3A_38[0, 0] : f32 from vector<1x1xf32>
    %reduce_sum3A_40 = arith.constant dense<0.000000e+00> : vector<128xf32>
    %reduce_sum3A_41 = vector.multi_reduction <add>, %select_n3A, %reduce_sum3A_40 [0] : vector<2048x128xf32> to vector<128xf32>
    %broadcast_in_dim3A_42 = vector.shape_cast %reduce_sum3A_41 : vector<128xf32> to vector<1x128xf32>
    %get3A_43 = arith.constant 0 : index
    %get3A_44 = arith.constant 0 : index
    %get3A_45 = vector.load %arg10[%get3A_43, %get3A_44] : memref<1x128xf32, #tpu.memory_space<vmem>>, vector<1x128xf32>
    %mul3A_46 = arith.mulf %get3A_45, %broadcast_in_dim3A_42 : vector<1x128xf32>
    %reduce_sum3A_47 = vector.shape_cast %mul3A_46 : vector<1x128xf32> to vector<1x1x128xf32>
    %reduce_sum3A_48 = arith.constant dense<0.000000e+00> : vector<1xf32>
    %reduce_sum3A_49 = vector.multi_reduction <add>, %reduce_sum3A_47, %reduce_sum3A_48 [1, 2] : vector<1x1x128xf32> to vector<1xf32>
    %reduce_sum3A_50 = vector.shape_cast %reduce_sum3A_49 : vector<1xf32> to vector<1x1x1xf32>
    %reduce_sum3A_51 = vector.extract %reduce_sum3A_50[0, 0, 0] : f32 from vector<1x1x1xf32>
    %get3A_52 = arith.constant 0 : index
    %get3A_53 = memref.load %arg8[%get3A_52] : memref<1xf32, #tpu.memory_space<smem>>
    %get3A_54 = arith.constant 0 : index
    %get3A_55 = memref.load %arg9[%get3A_54] : memref<1xf32, #tpu.memory_space<smem>>
    %mul3A_56 = arith.mulf %convert_element_type3A_34, %get3A_55 : f32
    %mul3A_57 = arith.constant 1.024000e+03 : f32
    %mul3A_58 = arith.mulf %mul3A_57, %reduce_sum3A_39 : f32
    %add3A_59 = arith.addf %mul3A_56, %mul3A_58 : f32
    %mul3A_60 = arith.constant 2.000000e+00 : f32
    %mul3A_61 = arith.mulf %mul3A_60, %reduce_sum3A_51 : f32
    %sub3A_62 = arith.subf %add3A_59, %mul3A_61 : f32
    %add3A_63 = arith.addf %get3A_53, %sub3A_62 : f32
    %swap3A = arith.constant 0 : index
    %swap3A_64 = memref.load %arg8[%swap3A] : memref<1xf32, #tpu.memory_space<smem>>
    memref.store %add3A_63, %arg8[%swap3A] : memref<1xf32, #tpu.memory_space<smem>>
    %slice3A = vector.extract_strided_slice %add3A_29 {offsets = [0, 0], sizes = [1024, 128], strides = [1, 1]} : vector<1024x2048xf32> to vector<1024x128xf32>
    %slice3A_65 = vector.extract_strided_slice %add3A_29 {offsets = [0, 128], sizes = [1024, 128], strides = [1, 1]} : vector<1024x2048xf32> to vector<1024x128xf32>
    %slice3A_66 = vector.extract_strided_slice %add3A_29 {offsets = [0, 256], sizes = [1024, 128], strides = [1, 1]} : vector<1024x2048xf32> to vector<1024x128xf32>
    %slice3A_67 = vector.extract_strided_slice %add3A_29 {offsets = [0, 384], sizes = [1024, 128], strides = [1, 1]} : vector<1024x2048xf32> to vector<1024x128xf32>
    %slice3A_68 = vector.extract_strided_slice %add3A_29 {offsets = [0, 512], sizes = [1024, 128], strides = [1, 1]} : vector<1024x2048xf32> to vector<1024x128xf32>
    %slice3A_69 = vector.extract_strided_slice %add3A_29 {offsets = [0, 640], sizes = [1024, 128], strides = [1, 1]} : vector<1024x2048xf32> to vector<1024x128xf32>
    %slice3A_70 = vector.extract_strided_slice %add3A_29 {offsets = [0, 768], sizes = [1024, 128], strides = [1, 1]} : vector<1024x2048xf32> to vector<1024x128xf32>
    %slice3A_71 = vector.extract_strided_slice %add3A_29 {offsets = [0, 896], sizes = [1024, 128], strides = [1, 1]} : vector<1024x2048xf32> to vector<1024x128xf32>
    %slice3A_72 = vector.extract_strided_slice %add3A_29 {offsets = [0, 1024], sizes = [1024, 128], strides = [1, 1]} : vector<1024x2048xf32> to vector<1024x128xf32>
    %slice3A_73 = vector.extract_strided_slice %add3A_29 {offsets = [0, 1152], sizes = [1024, 128], strides = [1, 1]} : vector<1024x2048xf32> to vector<1024x128xf32>
    %slice3A_74 = vector.extract_strided_slice %add3A_29 {offsets = [0, 1280], sizes = [1024, 128], strides = [1, 1]} : vector<1024x2048xf32> to vector<1024x128xf32>
    %slice3A_75 = vector.extract_strided_slice %add3A_29 {offsets = [0, 1408], sizes = [1024, 128], strides = [1, 1]} : vector<1024x2048xf32> to vector<1024x128xf32>
    %slice3A_76 = vector.extract_strided_slice %add3A_29 {offsets = [0, 1536], sizes = [1024, 128], strides = [1, 1]} : vector<1024x2048xf32> to vector<1024x128xf32>
    %slice3A_77 = vector.extract_strided_slice %add3A_29 {offsets = [0, 1664], sizes = [1024, 128], strides = [1, 1]} : vector<1024x2048xf32> to vector<1024x128xf32>
    %slice3A_78 = vector.extract_strided_slice %add3A_29 {offsets = [0, 1792], sizes = [1024, 128], strides = [1, 1]} : vector<1024x2048xf32> to vector<1024x128xf32>
    %slice3A_79 = vector.extract_strided_slice %add3A_29 {offsets = [0, 1920], sizes = [1024, 128], strides = [1, 1]} : vector<1024x2048xf32> to vector<1024x128xf32>
    %max3A = arith.maximumf %slice3A, %slice3A_65 : vector<1024x128xf32>
    %min3A_80 = arith.minimumf %slice3A, %slice3A_65 : vector<1024x128xf32>
    %max3A_81 = arith.maximumf %slice3A_66, %slice3A_67 : vector<1024x128xf32>
    %min3A_82 = arith.minimumf %slice3A_66, %slice3A_67 : vector<1024x128xf32>
    %max3A_83 = arith.maximumf %slice3A_68, %slice3A_69 : vector<1024x128xf32>
    %min3A_84 = arith.minimumf %slice3A_68, %slice3A_69 : vector<1024x128xf32>
    %max3A_85 = arith.maximumf %slice3A_70, %slice3A_71 : vector<1024x128xf32>
    %min3A_86 = arith.minimumf %slice3A_70, %slice3A_71 : vector<1024x128xf32>
    %max3A_87 = arith.maximumf %slice3A_72, %slice3A_73 : vector<1024x128xf32>
    %min3A_88 = arith.minimumf %slice3A_72, %slice3A_73 : vector<1024x128xf32>
    %max3A_89 = arith.maximumf %slice3A_74, %slice3A_75 : vector<1024x128xf32>
    %min3A_90 = arith.minimumf %slice3A_74, %slice3A_75 : vector<1024x128xf32>
    %max3A_91 = arith.maximumf %slice3A_76, %slice3A_77 : vector<1024x128xf32>
    %min3A_92 = arith.minimumf %slice3A_76, %slice3A_77 : vector<1024x128xf32>
    %max3A_93 = arith.maximumf %slice3A_78, %slice3A_79 : vector<1024x128xf32>
    %min3A_94 = arith.minimumf %slice3A_78, %slice3A_79 : vector<1024x128xf32>
    %max3A_95 = arith.maximumf %max3A, %max3A_81 : vector<1024x128xf32>
    %min3A_96 = arith.minimumf %max3A, %max3A_81 : vector<1024x128xf32>
    %max3A_97 = arith.maximumf %min3A_80, %min3A_82 : vector<1024x128xf32>
    %min3A_98 = arith.minimumf %min3A_80, %min3A_82 : vector<1024x128xf32>
    %max3A_99 = arith.maximumf %max3A_83, %max3A_85 : vector<1024x128xf32>
    %min3A_100 = arith.minimumf %max3A_83, %max3A_85 : vector<1024x128xf32>
    %max3A_101 = arith.maximumf %min3A_84, %min3A_86 : vector<1024x128xf32>
    %min3A_102 = arith.minimumf %min3A_84, %min3A_86 : vector<1024x128xf32>
    %max3A_103 = arith.maximumf %max3A_87, %max3A_89 : vector<1024x128xf32>
    %min3A_104 = arith.minimumf %max3A_87, %max3A_89 : vector<1024x128xf32>
    %max3A_105 = arith.maximumf %min3A_88, %min3A_90 : vector<1024x128xf32>
    %min3A_106 = arith.minimumf %min3A_88, %min3A_90 : vector<1024x128xf32>
    %max3A_107 = arith.maximumf %max3A_91, %max3A_93 : vector<1024x128xf32>
    %min3A_108 = arith.minimumf %max3A_91, %max3A_93 : vector<1024x128xf32>
    %max3A_109 = arith.maximumf %min3A_92, %min3A_94 : vector<1024x128xf32>
    %min3A_110 = arith.minimumf %min3A_92, %min3A_94 : vector<1024x128xf32>
    %max3A_111 = arith.maximumf %max3A_95, %max3A_99 : vector<1024x128xf32>
    %min3A_112 = arith.minimumf %max3A_95, %max3A_99 : vector<1024x128xf32>
    %max3A_113 = arith.maximumf %max3A_97, %max3A_101 : vector<1024x128xf32>
    %min3A_114 = arith.minimumf %max3A_97, %max3A_101 : vector<1024x128xf32>
    %max3A_115 = arith.maximumf %min3A_96, %min3A_100 : vector<1024x128xf32>
    %min3A_116 = arith.minimumf %min3A_96, %min3A_100 : vector<1024x128xf32>
    %max3A_117 = arith.maximumf %min3A_98, %min3A_102 : vector<1024x128xf32>
    %min3A_118 = arith.minimumf %min3A_98, %min3A_102 : vector<1024x128xf32>
    %max3A_119 = arith.maximumf %max3A_103, %max3A_107 : vector<1024x128xf32>
    %min3A_120 = arith.minimumf %max3A_103, %max3A_107 : vector<1024x128xf32>
    %max3A_121 = arith.maximumf %max3A_105, %max3A_109 : vector<1024x128xf32>
    %min3A_122 = arith.minimumf %max3A_105, %max3A_109 : vector<1024x128xf32>
    %max3A_123 = arith.maximumf %min3A_104, %min3A_108 : vector<1024x128xf32>
    %min3A_124 = arith.minimumf %min3A_104, %min3A_108 : vector<1024x128xf32>
    %max3A_125 = arith.maximumf %min3A_106, %min3A_110 : vector<1024x128xf32>
    %min3A_126 = arith.minimumf %min3A_106, %min3A_110 : vector<1024x128xf32>
    %max3A_127 = arith.maximumf %max3A_111, %max3A_119 : vector<1024x128xf32>
    %min3A_128 = arith.minimumf %max3A_111, %max3A_119 : vector<1024x128xf32>
    %max3A_129 = arith.maximumf %max3A_113, %max3A_121 : vector<1024x128xf32>
    %min3A_130 = arith.minimumf %max3A_113, %max3A_121 : vector<1024x128xf32>
    %max3A_131 = arith.maximumf %max3A_115, %max3A_123 : vector<1024x128xf32>
    %min3A_132 = arith.minimumf %max3A_115, %max3A_123 : vector<1024x128xf32>
    %max3A_133 = arith.maximumf %max3A_117, %max3A_125 : vector<1024x128xf32>
    %min3A_134 = arith.minimumf %max3A_117, %max3A_125 : vector<1024x128xf32>
    %max3A_135 = arith.maximumf %min3A_112, %min3A_120 : vector<1024x128xf32>
    %min3A_136 = arith.minimumf %min3A_112, %min3A_120 : vector<1024x128xf32>
    %max3A_137 = arith.maximumf %min3A_114, %min3A_122 : vector<1024x128xf32>
    %min3A_138 = arith.minimumf %min3A_114, %min3A_122 : vector<1024x128xf32>
    %max3A_139 = arith.maximumf %min3A_116, %min3A_124 : vector<1024x128xf32>
    %min3A_140 = arith.minimumf %min3A_116, %min3A_124 : vector<1024x128xf32>
    %max3A_141 = arith.maximumf %min3A_118, %min3A_126 : vector<1024x128xf32>
    %max3A_142 = arith.maximumf %max3A_137, %min3A_132 : vector<1024x128xf32>
    %min3A_143 = arith.minimumf %max3A_137, %min3A_132 : vector<1024x128xf32>
    %max3A_144 = arith.maximumf %max3A_139, %min3A_130 : vector<1024x128xf32>
    %min3A_145 = arith.minimumf %max3A_139, %min3A_130 : vector<1024x128xf32>
    %max3A_146 = arith.maximumf %max3A_133, %min3A_136 : vector<1024x128xf32>
    %min3A_147 = arith.minimumf %max3A_133, %min3A_136 : vector<1024x128xf32>
    %max3A_148 = arith.maximumf %min3A_138, %min3A_140 : vector<1024x128xf32>
    %max3A_149 = arith.maximumf %max3A_141, %min3A_134 : vector<1024x128xf32>
    %max3A_150 = arith.maximumf %max3A_129, %max3A_131 : vector<1024x128xf32>
    %min3A_151 = arith.minimumf %max3A_129, %max3A_131 : vector<1024x128xf32>
    %max3A_152 = arith.maximumf %max3A_135, %min3A_128 : vector<1024x128xf32>
    %min3A_153 = arith.minimumf %max3A_135, %min3A_128 : vector<1024x128xf32>
    %max3A_154 = arith.maximumf %max3A_150, %max3A_152 : vector<1024x128xf32>
    %min3A_155 = arith.minimumf %max3A_150, %max3A_152 : vector<1024x128xf32>
    %max3A_156 = arith.maximumf %max3A_149, %max3A_148 : vector<1024x128xf32>
    %max3A_157 = arith.maximumf %min3A_151, %min3A_153 : vector<1024x128xf32>
    %min3A_158 = arith.minimumf %min3A_151, %min3A_153 : vector<1024x128xf32>
    %max3A_159 = arith.maximumf %max3A_142, %max3A_144 : vector<1024x128xf32>
    %min3A_160 = arith.minimumf %max3A_142, %max3A_144 : vector<1024x128xf32>
    %max3A_161 = arith.maximumf %min3A_145, %min3A_143 : vector<1024x128xf32>
    %min3A_162 = arith.minimumf %min3A_145, %min3A_143 : vector<1024x128xf32>
    %max3A_163 = arith.maximumf %max3A_157, %min3A_155 : vector<1024x128xf32>
    %min3A_164 = arith.minimumf %max3A_157, %min3A_155 : vector<1024x128xf32>
    %max3A_165 = arith.maximumf %max3A_146, %min3A_158 : vector<1024x128xf32>
    %min3A_166 = arith.minimumf %max3A_146, %min3A_158 : vector<1024x128xf32>
    %max3A_167 = arith.maximumf %max3A_156, %min3A_147 : vector<1024x128xf32>
    %min3A_168 = arith.minimumf %max3A_156, %min3A_147 : vector<1024x128xf32>
    %max3A_169 = arith.maximumf %min3A_160, %min3A_166 : vector<1024x128xf32>
    %min3A_170 = arith.minimumf %min3A_160, %min3A_166 : vector<1024x128xf32>
    %max3A_171 = arith.maximumf %min3A_162, %min3A_168 : vector<1024x128xf32>
    %max3A_172 = arith.maximumf %max3A_165, %max3A_159 : vector<1024x128xf32>
    %min3A_173 = arith.minimumf %max3A_165, %max3A_159 : vector<1024x128xf32>
    %max3A_174 = arith.maximumf %max3A_167, %max3A_161 : vector<1024x128xf32>
    %min3A_175 = arith.minimumf %max3A_167, %max3A_161 : vector<1024x128xf32>
    %max3A_176 = arith.maximumf %max3A_172, %min3A_164 : vector<1024x128xf32>
    %min3A_177 = arith.minimumf %max3A_172, %min3A_164 : vector<1024x128xf32>
    %max3A_178 = arith.maximumf %min3A_173, %max3A_169 : vector<1024x128xf32>
    %min3A_179 = arith.minimumf %min3A_173, %max3A_169 : vector<1024x128xf32>
    %max3A_180 = arith.maximumf %max3A_174, %min3A_170 : vector<1024x128xf32>
    %min3A_181 = arith.minimumf %max3A_174, %min3A_170 : vector<1024x128xf32>
    %max3A_182 = arith.maximumf %min3A_175, %max3A_171 : vector<1024x128xf32>
    %max3A_183 = arith.maximumf %min3A_179, %max3A_180 : vector<1024x128xf32>
    %min3A_184 = arith.minimumf %min3A_179, %max3A_180 : vector<1024x128xf32>
    %max3A_185 = arith.maximumf %min3A_181, %max3A_182 : vector<1024x128xf32>
    %min3A_186 = arith.minimumf %min3A_181, %max3A_182 : vector<1024x128xf32>
    %get3A_187 = arith.constant 0 : index
    %get3A_188 = arith.constant 0 : index
    %get3A_189 = vector.load %arg5[%get3A_187, %get3A_188] : memref<1024x1280xf32, #tpu.memory_space<vmem>>, vector<1024x128xf32>
    %get3A_190 = arith.constant 0 : index
    %get3A_191 = arith.constant 128 : index
    %get3A_192 = vector.load %arg5[%get3A_190, %get3A_191] : memref<1024x1280xf32, #tpu.memory_space<vmem>>, vector<1024x128xf32>
    %get3A_193 = arith.constant 0 : index
    %get3A_194 = arith.constant 256 : index
    %get3A_195 = vector.load %arg5[%get3A_193, %get3A_194] : memref<1024x1280xf32, #tpu.memory_space<vmem>>, vector<1024x128xf32>
    %get3A_196 = arith.constant 0 : index
    %get3A_197 = arith.constant 384 : index
    %get3A_198 = vector.load %arg5[%get3A_196, %get3A_197] : memref<1024x1280xf32, #tpu.memory_space<vmem>>, vector<1024x128xf32>
    %get3A_199 = arith.constant 0 : index
    %get3A_200 = arith.constant 512 : index
    %get3A_201 = vector.load %arg5[%get3A_199, %get3A_200] : memref<1024x1280xf32, #tpu.memory_space<vmem>>, vector<1024x128xf32>
    %get3A_202 = arith.constant 0 : index
    %get3A_203 = arith.constant 640 : index
    %get3A_204 = vector.load %arg5[%get3A_202, %get3A_203] : memref<1024x1280xf32, #tpu.memory_space<vmem>>, vector<1024x128xf32>
    %get3A_205 = arith.constant 0 : index
    %get3A_206 = arith.constant 768 : index
    %get3A_207 = vector.load %arg5[%get3A_205, %get3A_206] : memref<1024x1280xf32, #tpu.memory_space<vmem>>, vector<1024x128xf32>
    %get3A_208 = arith.constant 0 : index
    %get3A_209 = arith.constant 896 : index
    %get3A_210 = vector.load %arg5[%get3A_208, %get3A_209] : memref<1024x1280xf32, #tpu.memory_space<vmem>>, vector<1024x128xf32>
    %get3A_211 = arith.constant 0 : index
    %get3A_212 = arith.constant 1024 : index
    %get3A_213 = vector.load %arg5[%get3A_211, %get3A_212] : memref<1024x1280xf32, #tpu.memory_space<vmem>>, vector<1024x128xf32>
    %get3A_214 = arith.constant 0 : index
    %get3A_215 = arith.constant 1152 : index
    %get3A_216 = vector.load %arg5[%get3A_214, %get3A_215] : memref<1024x1280xf32, #tpu.memory_space<vmem>>, vector<1024x128xf32>
    %max3A_217 = arith.maximumf %get3A_189, %min3A_186 : vector<1024x128xf32>
    %max3A_218 = arith.maximumf %get3A_192, %max3A_185 : vector<1024x128xf32>
    %max3A_219 = arith.maximumf %get3A_195, %min3A_184 : vector<1024x128xf32>
    %max3A_220 = arith.maximumf %get3A_198, %max3A_183 : vector<1024x128xf32>
    %max3A_221 = arith.maximumf %get3A_201, %max3A_178 : vector<1024x128xf32>
    %max3A_222 = arith.maximumf %get3A_204, %min3A_177 : vector<1024x128xf32>
    %max3A_223 = arith.maximumf %get3A_207, %max3A_176 : vector<1024x128xf32>
    %max3A_224 = arith.maximumf %get3A_210, %max3A_163 : vector<1024x128xf32>
    %max3A_225 = arith.maximumf %get3A_213, %max3A_154 : vector<1024x128xf32>
    %max3A_226 = arith.maximumf %get3A_216, %max3A_127 : vector<1024x128xf32>
    %max3A_227 = arith.maximumf %max3A_217, %max3A_222 : vector<1024x128xf32>
    %min3A_228 = arith.minimumf %max3A_217, %max3A_222 : vector<1024x128xf32>
    %max3A_229 = arith.maximumf %max3A_218, %max3A_223 : vector<1024x128xf32>
    %min3A_230 = arith.minimumf %max3A_218, %max3A_223 : vector<1024x128xf32>
    %max3A_231 = arith.maximumf %max3A_219, %max3A_224 : vector<1024x128xf32>
    %min3A_232 = arith.minimumf %max3A_219, %max3A_224 : vector<1024x128xf32>
    %max3A_233 = arith.maximumf %max3A_220, %max3A_225 : vector<1024x128xf32>
    %min3A_234 = arith.minimumf %max3A_220, %max3A_225 : vector<1024x128xf32>
    %max3A_235 = arith.maximumf %max3A_221, %max3A_226 : vector<1024x128xf32>
    %min3A_236 = arith.minimumf %max3A_221, %max3A_226 : vector<1024x128xf32>
    %max3A_237 = arith.maximumf %max3A_229, %max3A_233 : vector<1024x128xf32>
    %min3A_238 = arith.minimumf %max3A_229, %max3A_233 : vector<1024x128xf32>
    %max3A_239 = arith.maximumf %max3A_227, %max3A_235 : vector<1024x128xf32>
    %min3A_240 = arith.minimumf %max3A_227, %max3A_235 : vector<1024x128xf32>
    %max3A_241 = arith.maximumf %max3A_231, %min3A_240 : vector<1024x128xf32>
    %min3A_242 = arith.minimumf %max3A_231, %min3A_240 : vector<1024x128xf32>
    %max3A_243 = arith.maximumf %max3A_237, %max3A_241 : vector<1024x128xf32>
    %min3A_244 = arith.minimumf %max3A_237, %max3A_241 : vector<1024x128xf32>
    %max3A_245 = arith.maximumf %min3A_238, %min3A_242 : vector<1024x128xf32>
    %min3A_246 = arith.minimumf %min3A_238, %min3A_242 : vector<1024x128xf32>
    %max3A_247 = arith.maximumf %min3A_228, %min3A_230 : vector<1024x128xf32>
    %min3A_248 = arith.minimumf %min3A_228, %min3A_230 : vector<1024x128xf32>
    %max3A_249 = arith.maximumf %min3A_232, %min3A_234 : vector<1024x128xf32>
    %min3A_250 = arith.minimumf %min3A_232, %min3A_234 : vector<1024x128xf32>
    %max3A_251 = arith.maximumf %max3A_247, %max3A_249 : vector<1024x128xf32>
    %min3A_252 = arith.minimumf %max3A_247, %max3A_249 : vector<1024x128xf32>
    %max3A_253 = arith.maximumf %min3A_248, %min3A_250 : vector<1024x128xf32>
    %min3A_254 = arith.minimumf %min3A_248, %min3A_250 : vector<1024x128xf32>
    %max3A_255 = arith.maximumf %max3A_253, %min3A_252 : vector<1024x128xf32>
    %min3A_256 = arith.minimumf %max3A_253, %min3A_252 : vector<1024x128xf32>
    %max3A_257 = arith.maximumf %max3A_251, %min3A_236 : vector<1024x128xf32>
    %min3A_258 = arith.minimumf %max3A_251, %min3A_236 : vector<1024x128xf32>
    %max3A_259 = arith.maximumf %min3A_256, %min3A_258 : vector<1024x128xf32>
    %min3A_260 = arith.minimumf %min3A_256, %min3A_258 : vector<1024x128xf32>
    %max3A_261 = arith.maximumf %max3A_255, %max3A_259 : vector<1024x128xf32>
    %min3A_262 = arith.minimumf %max3A_255, %max3A_259 : vector<1024x128xf32>
    %max3A_263 = arith.maximumf %min3A_254, %min3A_260 : vector<1024x128xf32>
    %min3A_264 = arith.minimumf %min3A_254, %min3A_260 : vector<1024x128xf32>
    %swap3A_265 = arith.constant 0 : index
    %swap3A_266 = arith.constant 0 : index
    %swap3A_267 = vector.load %arg5[%swap3A_265, %swap3A_266] : memref<1024x1280xf32, #tpu.memory_space<vmem>>, vector<1024x128xf32>
    tpu.vector_store %arg5[%swap3A_265, %swap3A_266], %max3A_239 {strides = array<i32>} : memref<1024x1280xf32, #tpu.memory_space<vmem>>, vector<1024x128xf32>,
    %swap3A_268 = arith.constant 0 : index
    %swap3A_269 = arith.constant 128 : index
    %swap3A_270 = vector.load %arg5[%swap3A_268, %swap3A_269] : memref<1024x1280xf32, #tpu.memory_space<vmem>>, vector<1024x128xf32>
    tpu.vector_store %arg5[%swap3A_268, %swap3A_269], %max3A_243 {strides = array<i32>} : memref<1024x1280xf32, #tpu.memory_space<vmem>>, vector<1024x128xf32>,
    %swap3A_271 = arith.constant 0 : index
    %swap3A_272 = arith.constant 256 : index
    %swap3A_273 = vector.load %arg5[%swap3A_271, %swap3A_272] : memref<1024x1280xf32, #tpu.memory_space<vmem>>, vector<1024x128xf32>
    tpu.vector_store %arg5[%swap3A_271, %swap3A_272], %min3A_244 {strides = array<i32>} : memref<1024x1280xf32, #tpu.memory_space<vmem>>, vector<1024x128xf32>,
    %swap3A_274 = arith.constant 0 : index
    %swap3A_275 = arith.constant 384 : index
    %swap3A_276 = vector.load %arg5[%swap3A_274, %swap3A_275] : memref<1024x1280xf32, #tpu.memory_space<vmem>>, vector<1024x128xf32>
    tpu.vector_store %arg5[%swap3A_274, %swap3A_275], %max3A_245 {strides = array<i32>} : memref<1024x1280xf32, #tpu.memory_space<vmem>>, vector<1024x128xf32>,
    %swap3A_277 = arith.constant 0 : index
    %swap3A_278 = arith.constant 512 : index
    %swap3A_279 = vector.load %arg5[%swap3A_277, %swap3A_278] : memref<1024x1280xf32, #tpu.memory_space<vmem>>, vector<1024x128xf32>
    tpu.vector_store %arg5[%swap3A_277, %swap3A_278], %min3A_246 {strides = array<i32>} : memref<1024x1280xf32, #tpu.memory_space<vmem>>, vector<1024x128xf32>,
    %swap3A_280 = arith.constant 0 : index
    %swap3A_281 = arith.constant 640 : index
    %swap3A_282 = vector.load %arg5[%swap3A_280, %swap3A_281] : memref<1024x1280xf32, #tpu.memory_space<vmem>>, vector<1024x128xf32>
    tpu.vector_store %arg5[%swap3A_280, %swap3A_281], %max3A_257 {strides = array<i32>} : memref<1024x1280xf32, #tpu.memory_space<vmem>>, vector<1024x128xf32>,
    %swap3A_283 = arith.constant 0 : index
    %swap3A_284 = arith.constant 768 : index
    %swap3A_285 = vector.load %arg5[%swap3A_283, %swap3A_284] : memref<1024x1280xf32, #tpu.memory_space<vmem>>, vector<1024x128xf32>
    tpu.vector_store %arg5[%swap3A_283, %swap3A_284], %max3A_261 {strides = array<i32>} : memref<1024x1280xf32, #tpu.memory_space<vmem>>, vector<1024x128xf32>,
    %swap3A_286 = arith.constant 0 : index
    %swap3A_287 = arith.constant 896 : index
    %swap3A_288 = vector.load %arg5[%swap3A_286, %swap3A_287] : memref<1024x1280xf32, #tpu.memory_space<vmem>>, vector<1024x128xf32>
    tpu.vector_store %arg5[%swap3A_286, %swap3A_287], %min3A_262 {strides = array<i32>} : memref<1024x1280xf32, #tpu.memory_space<vmem>>, vector<1024x128xf32>,
    %swap3A_289 = arith.constant 0 : index
    %swap3A_290 = arith.constant 1024 : index
    %swap3A_291 = vector.load %arg5[%swap3A_289, %swap3A_290] : memref<1024x1280xf32, #tpu.memory_space<vmem>>, vector<1024x128xf32>
    tpu.vector_store %arg5[%swap3A_289, %swap3A_290], %max3A_263 {strides = array<i32>} : memref<1024x1280xf32, #tpu.memory_space<vmem>>, vector<1024x128xf32>,
    %swap3A_292 = arith.constant 0 : index
    %swap3A_293 = arith.constant 1152 : index
    %swap3A_294 = vector.load %arg5[%swap3A_292, %swap3A_293] : memref<1024x1280xf32, #tpu.memory_space<vmem>>, vector<1024x128xf32>
    tpu.vector_store %arg5[%swap3A_292, %swap3A_293], %min3A_264 {strides = array<i32>} : memref<1024x1280xf32, #tpu.memory_space<vmem>>, vector<1024x128xf32>,
    %eq3A_295 = arith.constant 48 : i32
    %eq3A_296 = arith.cmpi eq, %arg0, %eq3A_295 : i32
    %convert_element_type3A_297 = arith.extui %eq3A_296 : i1 to i32
    %cond3A_298 = arith.constant 0 : i32
    %cond3A_299 = arith.cmpi ne, %convert_element_type3A_297, %cond3A_298 : i32
    scf.if %cond3A_299 {
      %slice3A_300 = vector.extract_strided_slice %max3A_239 {offsets = [0, 0], sizes = [1024, 64], strides = [1, 1]} : vector<1024x128xf32> to vector<1024x64xf32>
      %slice3A_301 = vector.extract_strided_slice %max3A_243 {offsets = [0, 0], sizes = [1024, 64], strides = [1, 1]} : vector<1024x128xf32> to vector<1024x64xf32>
      %slice3A_302 = vector.extract_strided_slice %min3A_244 {offsets = [0, 0], sizes = [1024, 64], strides = [1, 1]} : vector<1024x128xf32> to vector<1024x64xf32>
      %slice3A_303 = vector.extract_strided_slice %max3A_245 {offsets = [0, 0], sizes = [1024, 64], strides = [1, 1]} : vector<1024x128xf32> to vector<1024x64xf32>
      %slice3A_304 = vector.extract_strided_slice %min3A_246 {offsets = [0, 0], sizes = [1024, 64], strides = [1, 1]} : vector<1024x128xf32> to vector<1024x64xf32>
      %slice3A_305 = vector.extract_strided_slice %max3A_257 {offsets = [0, 0], sizes = [1024, 64], strides = [1, 1]} : vector<1024x128xf32> to vector<1024x64xf32>
      %slice3A_306 = vector.extract_strided_slice %max3A_261 {offsets = [0, 0], sizes = [1024, 64], strides = [1, 1]} : vector<1024x128xf32> to vector<1024x64xf32>
      %slice3A_307 = vector.extract_strided_slice %min3A_262 {offsets = [0, 0], sizes = [1024, 64], strides = [1, 1]} : vector<1024x128xf32> to vector<1024x64xf32>
      %slice3A_308 = vector.extract_strided_slice %max3A_263 {offsets = [0, 0], sizes = [1024, 64], strides = [1, 1]} : vector<1024x128xf32> to vector<1024x64xf32>
      %slice3A_309 = vector.extract_strided_slice %min3A_264 {offsets = [0, 0], sizes = [1024, 64], strides = [1, 1]} : vector<1024x128xf32> to vector<1024x64xf32>
      %slice3A_310 = vector.extract_strided_slice %max3A_239 {offsets = [0, 64], sizes = [1024, 64], strides = [1, 1]} : vector<1024x128xf32> to vector<1024x64xf32>
      %slice3A_311 = vector.extract_strided_slice %max3A_243 {offsets = [0, 64], sizes = [1024, 64], strides = [1, 1]} : vector<1024x128xf32> to vector<1024x64xf32>
      %slice3A_312 = vector.extract_strided_slice %min3A_244 {offsets = [0, 64], sizes = [1024, 64], strides = [1, 1]} : vector<1024x128xf32> to vector<1024x64xf32>
      %slice3A_313 = vector.extract_strided_slice %max3A_245 {offsets = [0, 64], sizes = [1024, 64], strides = [1, 1]} : vector<1024x128xf32> to vector<1024x64xf32>
      %slice3A_314 = vector.extract_strided_slice %min3A_246 {offsets = [0, 64], sizes = [1024, 64], strides = [1, 1]} : vector<1024x128xf32> to vector<1024x64xf32>
      %slice3A_315 = vector.extract_strided_slice %max3A_257 {offsets = [0, 64], sizes = [1024, 64], strides = [1, 1]} : vector<1024x128xf32> to vector<1024x64xf32>
      %slice3A_316 = vector.extract_strided_slice %max3A_261 {offsets = [0, 64], sizes = [1024, 64], strides = [1, 1]} : vector<1024x128xf32> to vector<1024x64xf32>
      %slice3A_317 = vector.extract_strided_slice %min3A_262 {offsets = [0, 64], sizes = [1024, 64], strides = [1, 1]} : vector<1024x128xf32> to vector<1024x64xf32>
      %slice3A_318 = vector.extract_strided_slice %max3A_263 {offsets = [0, 64], sizes = [1024, 64], strides = [1, 1]} : vector<1024x128xf32> to vector<1024x64xf32>
      %slice3A_319 = vector.extract_strided_slice %min3A_264 {offsets = [0, 64], sizes = [1024, 64], strides = [1, 1]} : vector<1024x128xf32> to vector<1024x64xf32>
      %max3A_320 = arith.maximumf %slice3A_300, %slice3A_319 : vector<1024x64xf32>
      %max3A_321 = arith.maximumf %slice3A_301, %slice3A_318 : vector<1024x64xf32>
      %max3A_322 = arith.maximumf %slice3A_302, %slice3A_317 : vector<1024x64xf32>
      %max3A_323 = arith.maximumf %slice3A_303, %slice3A_316 : vector<1024x64xf32>
      %max3A_324 = arith.maximumf %slice3A_304, %slice3A_315 : vector<1024x64xf32>
      %max3A_325 = arith.maximumf %slice3A_305, %slice3A_314 : vector<1024x64xf32>
      %max3A_326 = arith.maximumf %slice3A_306, %slice3A_313 : vector<1024x64xf32>
      %max3A_327 = arith.maximumf %slice3A_307, %slice3A_312 : vector<1024x64xf32>
      %max3A_328 = arith.maximumf %slice3A_308, %slice3A_311 : vector<1024x64xf32>
      %max3A_329 = arith.maximumf %slice3A_309, %slice3A_310 : vector<1024x64xf32>
      %max3A_330 = arith.maximumf %max3A_320, %max3A_325 : vector<1024x64xf32>
      %min3A_331 = arith.minimumf %max3A_320, %max3A_325 : vector<1024x64xf32>
      %max3A_332 = arith.maximumf %max3A_321, %max3A_326 : vector<1024x64xf32>
      %min3A_333 = arith.minimumf %max3A_321, %max3A_326 : vector<1024x64xf32>
      %max3A_334 = arith.maximumf %max3A_322, %max3A_327 : vector<1024x64xf32>
      %min3A_335 = arith.minimumf %max3A_322, %max3A_327 : vector<1024x64xf32>
      %max3A_336 = arith.maximumf %max3A_323, %max3A_328 : vector<1024x64xf32>
      %min3A_337 = arith.minimumf %max3A_323, %max3A_328 : vector<1024x64xf32>
      %max3A_338 = arith.maximumf %max3A_324, %max3A_329 : vector<1024x64xf32>
      %min3A_339 = arith.minimumf %max3A_324, %max3A_329 : vector<1024x64xf32>
      %max3A_340 = arith.maximumf %max3A_332, %max3A_336 : vector<1024x64xf32>
      %min3A_341 = arith.minimumf %max3A_332, %max3A_336 : vector<1024x64xf32>
      %max3A_342 = arith.maximumf %max3A_330, %max3A_338 : vector<1024x64xf32>
      %min3A_343 = arith.minimumf %max3A_330, %max3A_338 : vector<1024x64xf32>
      %max3A_344 = arith.maximumf %max3A_334, %min3A_343 : vector<1024x64xf32>
      %min3A_345 = arith.minimumf %max3A_334, %min3A_343 : vector<1024x64xf32>
      %max3A_346 = arith.maximumf %max3A_340, %max3A_344 : vector<1024x64xf32>
      %min3A_347 = arith.minimumf %max3A_340, %max3A_344 : vector<1024x64xf32>
      %max3A_348 = arith.maximumf %min3A_341, %min3A_345 : vector<1024x64xf32>
      %min3A_349 = arith.minimumf %min3A_341, %min3A_345 : vector<1024x64xf32>
      %max3A_350 = arith.maximumf %min3A_331, %min3A_333 : vector<1024x64xf32>
      %min3A_351 = arith.minimumf %min3A_331, %min3A_333 : vector<1024x64xf32>
      %max3A_352 = arith.maximumf %min3A_335, %min3A_337 : vector<1024x64xf32>
      %min3A_353 = arith.minimumf %min3A_335, %min3A_337 : vector<1024x64xf32>
      %max3A_354 = arith.maximumf %max3A_350, %max3A_352 : vector<1024x64xf32>
      %min3A_355 = arith.minimumf %max3A_350, %max3A_352 : vector<1024x64xf32>
      %max3A_356 = arith.maximumf %min3A_351, %min3A_353 : vector<1024x64xf32>
      %min3A_357 = arith.minimumf %min3A_351, %min3A_353 : vector<1024x64xf32>
      %max3A_358 = arith.maximumf %max3A_356, %min3A_355 : vector<1024x64xf32>
      %min3A_359 = arith.minimumf %max3A_356, %min3A_355 : vector<1024x64xf32>
      %max3A_360 = arith.maximumf %max3A_354, %min3A_339 : vector<1024x64xf32>
      %min3A_361 = arith.minimumf %max3A_354, %min3A_339 : vector<1024x64xf32>
      %max3A_362 = arith.maximumf %min3A_359, %min3A_361 : vector<1024x64xf32>
      %min3A_363 = arith.minimumf %min3A_359, %min3A_361 : vector<1024x64xf32>
      %max3A_364 = arith.maximumf %max3A_358, %max3A_362 : vector<1024x64xf32>
      %min3A_365 = arith.minimumf %max3A_358, %max3A_362 : vector<1024x64xf32>
      %max3A_366 = arith.maximumf %min3A_357, %min3A_363 : vector<1024x64xf32>
      %min3A_367 = arith.minimumf %min3A_357, %min3A_363 : vector<1024x64xf32>
      %slice3A_368 = vector.extract_strided_slice %max3A_342 {offsets = [0, 0], sizes = [1024, 32], strides = [1, 1]} : vector<1024x64xf32> to vector<1024x32xf32>
      %slice3A_369 = vector.extract_strided_slice %max3A_346 {offsets = [0, 0], sizes = [1024, 32], strides = [1, 1]} : vector<1024x64xf32> to vector<1024x32xf32>
      %slice3A_370 = vector.extract_strided_slice %min3A_347 {offsets = [0, 0], sizes = [1024, 32], strides = [1, 1]} : vector<1024x64xf32> to vector<1024x32xf32>
      %slice3A_371 = vector.extract_strided_slice %max3A_348 {offsets = [0, 0], sizes = [1024, 32], strides = [1, 1]} : vector<1024x64xf32> to vector<1024x32xf32>
      %slice3A_372 = vector.extract_strided_slice %min3A_349 {offsets = [0, 0], sizes = [1024, 32], strides = [1, 1]} : vector<1024x64xf32> to vector<1024x32xf32>
      %slice3A_373 = vector.extract_strided_slice %max3A_360 {offsets = [0, 0], sizes = [1024, 32], strides = [1, 1]} : vector<1024x64xf32> to vector<1024x32xf32>
      %slice3A_374 = vector.extract_strided_slice %max3A_364 {offsets = [0, 0], sizes = [1024, 32], strides = [1, 1]} : vector<1024x64xf32> to vector<1024x32xf32>
      %slice3A_375 = vector.extract_strided_slice %min3A_365 {offsets = [0, 0], sizes = [1024, 32], strides = [1, 1]} : vector<1024x64xf32> to vector<1024x32xf32>
      %slice3A_376 = vector.extract_strided_slice %max3A_366 {offsets = [0, 0], sizes = [1024, 32], strides = [1, 1]} : vector<1024x64xf32> to vector<1024x32xf32>
      %slice3A_377 = vector.extract_strided_slice %min3A_367 {offsets = [0, 0], sizes = [1024, 32], strides = [1, 1]} : vector<1024x64xf32> to vector<1024x32xf32>
      %slice3A_378 = vector.extract_strided_slice %max3A_342 {offsets = [0, 32], sizes = [1024, 32], strides = [1, 1]} : vector<1024x64xf32> to vector<1024x32xf32>
      %slice3A_379 = vector.extract_strided_slice %max3A_346 {offsets = [0, 32], sizes = [1024, 32], strides = [1, 1]} : vector<1024x64xf32> to vector<1024x32xf32>
      %slice3A_380 = vector.extract_strided_slice %min3A_347 {offsets = [0, 32], sizes = [1024, 32], strides = [1, 1]} : vector<1024x64xf32> to vector<1024x32xf32>
      %slice3A_381 = vector.extract_strided_slice %max3A_348 {offsets = [0, 32], sizes = [1024, 32], strides = [1, 1]} : vector<1024x64xf32> to vector<1024x32xf32>
      %slice3A_382 = vector.extract_strided_slice %min3A_349 {offsets = [0, 32], sizes = [1024, 32], strides = [1, 1]} : vector<1024x64xf32> to vector<1024x32xf32>
      %slice3A_383 = vector.extract_strided_slice %max3A_360 {offsets = [0, 32], sizes = [1024, 32], strides = [1, 1]} : vector<1024x64xf32> to vector<1024x32xf32>
      %slice3A_384 = vector.extract_strided_slice %max3A_364 {offsets = [0, 32], sizes = [1024, 32], strides = [1, 1]} : vector<1024x64xf32> to vector<1024x32xf32>
      %slice3A_385 = vector.extract_strided_slice %min3A_365 {offsets = [0, 32], sizes = [1024, 32], strides = [1, 1]} : vector<1024x64xf32> to vector<1024x32xf32>
      %slice3A_386 = vector.extract_strided_slice %max3A_366 {offsets = [0, 32], sizes = [1024, 32], strides = [1, 1]} : vector<1024x64xf32> to vector<1024x32xf32>
      %slice3A_387 = vector.extract_strided_slice %min3A_367 {offsets = [0, 32], sizes = [1024, 32], strides = [1, 1]} : vector<1024x64xf32> to vector<1024x32xf32>
      %max3A_388 = arith.maximumf %slice3A_368, %slice3A_387 : vector<1024x32xf32>
      %max3A_389 = arith.maximumf %slice3A_369, %slice3A_386 : vector<1024x32xf32>
      %max3A_390 = arith.maximumf %slice3A_370, %slice3A_385 : vector<1024x32xf32>
      %max3A_391 = arith.maximumf %slice3A_371, %slice3A_384 : vector<1024x32xf32>
      %max3A_392 = arith.maximumf %slice3A_372, %slice3A_383 : vector<1024x32xf32>
      %max3A_393 = arith.maximumf %slice3A_373, %slice3A_382 : vector<1024x32xf32>
      %max3A_394 = arith.maximumf %slice3A_374, %slice3A_381 : vector<1024x32xf32>
      %max3A_395 = arith.maximumf %slice3A_375, %slice3A_380 : vector<1024x32xf32>
      %max3A_396 = arith.maximumf %slice3A_376, %slice3A_379 : vector<1024x32xf32>
      %max3A_397 = arith.maximumf %slice3A_377, %slice3A_378 : vector<1024x32xf32>
      %max3A_398 = arith.maximumf %max3A_388, %max3A_393 : vector<1024x32xf32>
      %min3A_399 = arith.minimumf %max3A_388, %max3A_393 : vector<1024x32xf32>
      %max3A_400 = arith.maximumf %max3A_389, %max3A_394 : vector<1024x32xf32>
      %min3A_401 = arith.minimumf %max3A_389, %max3A_394 : vector<1024x32xf32>
      %max3A_402 = arith.maximumf %max3A_390, %max3A_395 : vector<1024x32xf32>
      %min3A_403 = arith.minimumf %max3A_390, %max3A_395 : vector<1024x32xf32>
      %max3A_404 = arith.maximumf %max3A_391, %max3A_396 : vector<1024x32xf32>
      %min3A_405 = arith.minimumf %max3A_391, %max3A_396 : vector<1024x32xf32>
      %max3A_406 = arith.maximumf %max3A_392, %max3A_397 : vector<1024x32xf32>
      %min3A_407 = arith.minimumf %max3A_392, %max3A_397 : vector<1024x32xf32>
      %max3A_408 = arith.maximumf %max3A_400, %max3A_404 : vector<1024x32xf32>
      %min3A_409 = arith.minimumf %max3A_400, %max3A_404 : vector<1024x32xf32>
      %max3A_410 = arith.maximumf %max3A_398, %max3A_406 : vector<1024x32xf32>
      %min3A_411 = arith.minimumf %max3A_398, %max3A_406 : vector<1024x32xf32>
      %max3A_412 = arith.maximumf %max3A_402, %min3A_411 : vector<1024x32xf32>
      %min3A_413 = arith.minimumf %max3A_402, %min3A_411 : vector<1024x32xf32>
      %max3A_414 = arith.maximumf %max3A_408, %max3A_412 : vector<1024x32xf32>
      %min3A_415 = arith.minimumf %max3A_408, %max3A_412 : vector<1024x32xf32>
      %max3A_416 = arith.maximumf %min3A_409, %min3A_413 : vector<1024x32xf32>
      %min3A_417 = arith.minimumf %min3A_409, %min3A_413 : vector<1024x32xf32>
      %max3A_418 = arith.maximumf %min3A_399, %min3A_401 : vector<1024x32xf32>
      %min3A_419 = arith.minimumf %min3A_399, %min3A_401 : vector<1024x32xf32>
      %max3A_420 = arith.maximumf %min3A_403, %min3A_405 : vector<1024x32xf32>
      %min3A_421 = arith.minimumf %min3A_403, %min3A_405 : vector<1024x32xf32>
      %max3A_422 = arith.maximumf %max3A_418, %max3A_420 : vector<1024x32xf32>
      %min3A_423 = arith.minimumf %max3A_418, %max3A_420 : vector<1024x32xf32>
      %max3A_424 = arith.maximumf %min3A_419, %min3A_421 : vector<1024x32xf32>
      %min3A_425 = arith.minimumf %min3A_419, %min3A_421 : vector<1024x32xf32>
      %max3A_426 = arith.maximumf %max3A_424, %min3A_423 : vector<1024x32xf32>
      %min3A_427 = arith.minimumf %max3A_424, %min3A_423 : vector<1024x32xf32>
      %max3A_428 = arith.maximumf %max3A_422, %min3A_407 : vector<1024x32xf32>
      %min3A_429 = arith.minimumf %max3A_422, %min3A_407 : vector<1024x32xf32>
      %max3A_430 = arith.maximumf %min3A_427, %min3A_429 : vector<1024x32xf32>
      %min3A_431 = arith.minimumf %min3A_427, %min3A_429 : vector<1024x32xf32>
      %max3A_432 = arith.maximumf %max3A_426, %max3A_430 : vector<1024x32xf32>
      %min3A_433 = arith.minimumf %max3A_426, %max3A_430 : vector<1024x32xf32>
      %max3A_434 = arith.maximumf %min3A_425, %min3A_431 : vector<1024x32xf32>
      %min3A_435 = arith.minimumf %min3A_425, %min3A_431 : vector<1024x32xf32>
      %get3A_436 = arith.constant 0 : index
      %get3A_437 = arith.constant 0 : index
      %get3A_438 = vector.load %arg6[%get3A_436, %get3A_437] : memref<1024x1xf32, #tpu.memory_space<vmem>>, vector<1024x1xf32>
      %add3A_439 = vector.broadcast %get3A_438 : vector<1024x1xf32> to vector<1024x32xf32>
      %add3A_440 = arith.addf %max3A_410, %add3A_439 : vector<1024x32xf32>
      %swap3A_441 = arith.constant 0 : index
      %swap3A_442 = arith.constant 0 : index
      %swap3A_443 = vector.load %arg3[%swap3A_441, %swap3A_442] : memref<1024x320xf32, #tpu.memory_space<vmem>>, vector<1024x32xf32>
      tpu.vector_store %arg3[%swap3A_441, %swap3A_442], %add3A_440 {strides = array<i32>} : memref<1024x320xf32, #tpu.memory_space<vmem>>, vector<1024x32xf32>,
      %add3A_444 = vector.broadcast %get3A_438 : vector<1024x1xf32> to vector<1024x32xf32>
      %add3A_445 = arith.addf %max3A_414, %add3A_444 : vector<1024x32xf32>
      %swap3A_446 = arith.constant 0 : index
      %swap3A_447 = arith.constant 32 : index
      %swap3A_448 = vector.load %arg3[%swap3A_446, %swap3A_447] : memref<1024x320xf32, #tpu.memory_space<vmem>>, vector<1024x32xf32>
      tpu.vector_store %arg3[%swap3A_446, %swap3A_447], %add3A_445 {strides = array<i32>} : memref<1024x320xf32, #tpu.memory_space<vmem>>, vector<1024x32xf32>,
      %add3A_449 = vector.broadcast %get3A_438 : vector<1024x1xf32> to vector<1024x32xf32>
      %add3A_450 = arith.addf %min3A_415, %add3A_449 : vector<1024x32xf32>
      %swap3A_451 = arith.constant 0 : index
      %swap3A_452 = arith.constant 64 : index
      %swap3A_453 = vector.load %arg3[%swap3A_451, %swap3A_452] : memref<1024x320xf32, #tpu.memory_space<vmem>>, vector<1024x32xf32>
      tpu.vector_store %arg3[%swap3A_451, %swap3A_452], %add3A_450 {strides = array<i32>} : memref<1024x320xf32, #tpu.memory_space<vmem>>, vector<1024x32xf32>,
      %add3A_454 = vector.broadcast %get3A_438 : vector<1024x1xf32> to vector<1024x32xf32>
      %add3A_455 = arith.addf %max3A_416, %add3A_454 : vector<1024x32xf32>
      %swap3A_456 = arith.constant 0 : index
      %swap3A_457 = arith.constant 96 : index
      %swap3A_458 = vector.load %arg3[%swap3A_456, %swap3A_457] : memref<1024x320xf32, #tpu.memory_space<vmem>>, vector<1024x32xf32>
      tpu.vector_store %arg3[%swap3A_456, %swap3A_457], %add3A_455 {strides = array<i32>} : memref<1024x320xf32, #tpu.memory_space<vmem>>, vector<1024x32xf32>,
      %add3A_459 = vector.broadcast %get3A_438 : vector<1024x1xf32> to vector<1024x32xf32>
      %add3A_460 = arith.addf %min3A_417, %add3A_459 : vector<1024x32xf32>
      %swap3A_461 = arith.constant 0 : index
      %swap3A_462 = arith.constant 128 : index
      %swap3A_463 = vector.load %arg3[%swap3A_461, %swap3A_462] : memref<1024x320xf32, #tpu.memory_space<vmem>>, vector<1024x32xf32>
      tpu.vector_store %arg3[%swap3A_461, %swap3A_462], %add3A_460 {strides = array<i32>} : memref<1024x320xf32, #tpu.memory_space<vmem>>, vector<1024x32xf32>,
      %add3A_464 = vector.broadcast %get3A_438 : vector<1024x1xf32> to vector<1024x32xf32>
      %add3A_465 = arith.addf %max3A_428, %add3A_464 : vector<1024x32xf32>
      %swap3A_466 = arith.constant 0 : index
      %swap3A_467 = arith.constant 160 : index
      %swap3A_468 = vector.load %arg3[%swap3A_466, %swap3A_467] : memref<1024x320xf32, #tpu.memory_space<vmem>>, vector<1024x32xf32>
      tpu.vector_store %arg3[%swap3A_466, %swap3A_467], %add3A_465 {strides = array<i32>} : memref<1024x320xf32, #tpu.memory_space<vmem>>, vector<1024x32xf32>,
      %add3A_469 = vector.broadcast %get3A_438 : vector<1024x1xf32> to vector<1024x32xf32>
      %add3A_470 = arith.addf %max3A_432, %add3A_469 : vector<1024x32xf32>
      %swap3A_471 = arith.constant 0 : index
      %swap3A_472 = arith.constant 192 : index
      %swap3A_473 = vector.load %arg3[%swap3A_471, %swap3A_472] : memref<1024x320xf32, #tpu.memory_space<vmem>>, vector<1024x32xf32>
      tpu.vector_store %arg3[%swap3A_471, %swap3A_472], %add3A_470 {strides = array<i32>} : memref<1024x320xf32, #tpu.memory_space<vmem>>, vector<1024x32xf32>,
      %add3A_474 = vector.broadcast %get3A_438 : vector<1024x1xf32> to vector<1024x32xf32>
      %add3A_475 = arith.addf %min3A_433, %add3A_474 : vector<1024x32xf32>
      %swap3A_476 = arith.constant 0 : index
      %swap3A_477 = arith.constant 224 : index
      %swap3A_478 = vector.load %arg3[%swap3A_476, %swap3A_477] : memref<1024x320xf32, #tpu.memory_space<vmem>>, vector<1024x32xf32>
      tpu.vector_store %arg3[%swap3A_476, %swap3A_477], %add3A_475 {strides = array<i32>} : memref<1024x320xf32, #tpu.memory_space<vmem>>, vector<1024x32xf32>,
      %add3A_479 = vector.broadcast %get3A_438 : vector<1024x1xf32> to vector<1024x32xf32>
      %add3A_480 = arith.addf %max3A_434, %add3A_479 : vector<1024x32xf32>
      %swap3A_481 = arith.constant 0 : index
      %swap3A_482 = arith.constant 256 : index
      %swap3A_483 = vector.load %arg3[%swap3A_481, %swap3A_482] : memref<1024x320xf32, #tpu.memory_space<vmem>>, vector<1024x32xf32>
      tpu.vector_store %arg3[%swap3A_481, %swap3A_482], %add3A_480 {strides = array<i32>} : memref<1024x320xf32, #tpu.memory_space<vmem>>, vector<1024x32xf32>,
      %add3A_484 = vector.broadcast %get3A_438 : vector<1024x1xf32> to vector<1024x32xf32>
      %add3A_485 = arith.addf %min3A_435, %add3A_484 : vector<1024x32xf32>
      %swap3A_486 = arith.constant 0 : index
      %swap3A_487 = arith.constant 288 : index
      %swap3A_488 = vector.load %arg3[%swap3A_486, %swap3A_487] : memref<1024x320xf32, #tpu.memory_space<vmem>>, vector<1024x32xf32>
      tpu.vector_store %arg3[%swap3A_486, %swap3A_487], %add3A_485 {strides = array<i32>} : memref<1024x320xf32, #tpu.memory_space<vmem>>, vector<1024x32xf32>,
      %get3A_489 = arith.constant 0 : index
      %get3A_490 = memref.load %arg8[%get3A_489] : memref<1xf32, #tpu.memory_space<smem>>
      %broadcast_in_dim3A_491 = vector.broadcast %get3A_490 : f32 to vector<1x128xf32>
      %swap3A_492 = arith.constant 0 : index
      %swap3A_493 = arith.constant 0 : index
      %swap3A_494 = vector.load %arg4[%swap3A_492, %swap3A_493] : memref<1x128xf32, #tpu.memory_space<vmem>>, vector<1x128xf32>
      tpu.vector_store %arg4[%swap3A_492, %swap3A_493], %broadcast_in_dim3A_491 {strides = array<i32>} : memref<1x128xf32, #tpu.memory_space<vmem>>, vector<1x128xf32>,
    } else {
    }
    return
  }
  func.func @transform_0(%arg0: i32) -> (i32, i32) {
    %c0_i32 = arith.constant 0 : i32
    %c0_i32_0 = arith.constant 0 : i32
    %c0_i32_1 = arith.constant 0 : i32
    return %c0_i32, %c0_i32_0 : i32, i32
  }
  func.func @transform_1(%arg0: i32) -> (i32, i32) {
    %c0_i32 = arith.constant 0 : i32
    %c0_i32_0 = arith.constant 0 : i32
    return %arg0, %c0_i32 : i32, i32
  }
  func.func @transform_2(%arg0: i32) -> (i32, i32) {
    %c0_i32 = arith.constant 0 : i32
    %c0_i32_0 = arith.constant 0 : i32
    %c0_i32_1 = arith.constant 0 : i32
    return %c0_i32, %c0_i32_0 : i32, i32
  }
  func.func @transform_3(%arg0: i32) -> (i32, i32) {
    %c0_i32 = arith.constant 0 : i32
    %c0_i32_0 = arith.constant 0 : i32
    %c0_i32_1 = arith.constant 0 : i32
    return %c0_i32, %c0_i32_0 : i32, i32
  }
}

</mosaic_0001>

<sc_bundles>
// kernel: kernel.4.cloned.1.call-start
scs
__scs_entry_jumppad:
0x0: {  	(pc) =	sbr.rel $0x88, $3  }
0x1: {  	(tag) =	ssettag $0x0;
	lr =	simm.s32 $0x1  }
0x2: {  	[smem:$0x3F9F] =	sst lr;
	_ =	strace $0xD0000000  }
0x3: {  	_ = 	snop  }
0x4: {  	_ = 	snop  }
0x5: {  	_ = 	snop  }
0x6: {  	_ = 	snop  }
0x7: {  	_ = 	snop  }
__scs_overlays_trampoline_lowered:
0x8: {  	[smem:$0x3FAE] =	sst s0  }
0x9: {  	[smem:$0x3FAF] =	sst s1  }
0xa: {  	[smem:$0x3FB0] =	sst s2  }
0xb: {  	[smem:$0x3FB1] =	sst s3  }
0xc: {  	[smem:$0x3FB2] =	sst s4  }
0xd: {  	[smem:$0x3FB3] =	sst s5  }
0xe: {  	[smem:$0x3FB4] =	sst s6  }
0xf: {  	[smem:$0x3FB5] =	sst s7  }
0x10: {  	[smem:$0x3FB6] =	sst s8  }
0x11: {  	[smem:$0x3FB7] =	sst s9;
	s0 =	simm.s32 @!p0 $0x0  }
0x12: {  	s1 =	sld [smem:$0x3F9D];
	s0 =	simm.s32 @p0 $0x1  }
0x13: {  	[smem:$0x3FB8] =	sst s0;
	s0 =	simm.s32 @!p1 $0x0  }
0x14: {  	s2 =	sld [smem:$0x3F9C];
	s0 =	simm.s32 @p1 $0x1  }
0x15: {  	[smem:$0x3FB9] =	sst s0;
	s0 =	simm.s32 @!p2 $0x0  }
0x16: {  	s3 =	sld [smem:$0x3FDB];
	s0 =	simm.s32 @p2 $0x1  }
0x17: {  	s4 =	simm.s32 $0x1BF5;
	[smem:$0x3FBB] =	sst s0  }
0x18: {  	s0 =	sld [smem:$0x3F9E];
	_ =	swait.ge [sflag:s4], $0x0  }
0x19: {  	s7 =	sld [smem:$0x3F9F]  }
0x1a: {  	s8 =	sadd.s32 $0xFFFFE003, lr  }
0x1b: {  	s9 =	sadd.s32 $0xFFFFFEF7, lr;
	s5 =	simm.s32 $0xFFFFFFFF;
	p2 =	slt.u32 s8, $0xFFFFF086  }
0x1c: {  	p1 =	slt.u32 s9, $0xF7A;
	s5 =	simm.s32 @!p2 $0x0  }
0x1d: {  	s5 =	simm.s32 @p1 $0x1;
	p0 =	seq.s32 s7, s2  }
0x1e: {  	s7 =	smul.u32 @!p0 $0xF7A, s2;
	p2 =	seq.s32 @!p0 s5, $0x0  }
0x1f: {  	s9 =	smul.u32 $0xF7A, s1;
	s8 =	simm.s32 @!p0 $0x1BF5;
	p2 =	por !p2, p0  }
0x20: {  	[sflag:s8] =	ssyncset.s32 @!p0 $0xFFFFF086;
	s6 =	sadd.s32 @!p0 s3, s7;
	s7 =	simm.s32 @!p0 $0x108  }
0x21: {  	s3 =	sadd.s32 s3, s9;
	s6 =	sadd.s32 @!p0 $0x88, s6;
	s7 =	simm.s32 @p2 $0x1082  }
0x22: {  	[simem:s7], [sflag:s8] =	dma.local @!p0 [hbm:s6], $0xF7A  }
0x23: {  	s9 =	sor.u32 $0xD0000000, s2;
	s6 =	simm.s32 $0x108;
	_ =	swait.ge @!p0 [sflag:s8], $0x0  }
0x24: {  	s3 =	sadd.s32 $0x88, s3;
	s6 =	simm.s32 @!p1 $0x1082;
	[sflag:s4] =	ssyncset.s32 $0xFFFFF086  }
0x25: {  	[simem:s6], [sflag:s4] =	dma.local [hbm:s3], $0xF7A  }
0x26: {  	[smem:$0x3F9F] =	sst s1;
	(tag) =	ssettag s2;
	_ =	strace s9  }
0x27: {  	s1 =	sld [smem:$0x3FAF]  }
0x28: {  	s2 =	sld [smem:$0x3FB0]  }
0x29: {  	s4 =	sld [smem:$0x3FB2]  }
0x2a: {  	p0 =	seq.s32 s5, $0x0;
	s5 =	sld [smem:$0x3FB3]  }
0x2b: {  	s6 =	sld [smem:$0x3FB4]  }
0x2c: {  	s7 =	sld [smem:$0x3FB5]  }
0x2d: {  	s3 =	simm.s32 $0x108;
	s8 =	sld [smem:$0x3FB6]  }
0x2e: {  	s3 =	simm.s32 @!p0 $0x1082;
	s9 =	sld [smem:$0x3FB7]  }
0x2f: {  	lr =	sadd.s32 s0, s3;
	s0 =	sld [smem:$0x3FAE]  }
0x30: {  	s3 =	sld [smem:$0x3FB1]  }
0x31: {  	[smem:$0x3FBA] =	sst s10  }
0x32: {  	s10 =	sld [smem:$0x3FB8];
	_ =	sdelay $0x3  }
0x33: {  	p0 =	seq.s32 s10, $0x1;
	s10 =	sld [smem:$0x3FBA];
	_ =	sdelay $0x3  }
0x34: {  	[smem:$0x3FBA] =	sst s10  }
0x35: {  	s10 =	sld [smem:$0x3FB9];
	_ =	sdelay $0x3  }
0x36: {  	p1 =	seq.s32 s10, $0x1;
	s10 =	sld [smem:$0x3FBA];
	_ =	sdelay $0x3  }
0x37: {  	[smem:$0x3FBA] =	sst s10  }
0x38: {  	s10 =	sld [smem:$0x3FBB]  }
0x39: {  	_ = 	snop;
	(pc) =	sbr.ind lr, $3  }
0x3a: {  	_ = 	snop  }
0x3b: {  	_ = 	snop  }
0x3c: {  	p2 =	seq.s32 s10, $0x1;
	s10 =	sld [smem:$0x3FBA]  }
0x3d: {  	_ =	shalt  }
0x3e: {  	_ =	shalt  }
0x3f: {  	_ =	shalt  }
0x40: {  	_ =	shalt  }
0x41: {  	_ =	shalt  }
0x42: {  	_ =	shalt  }
0x43: {  	_ =	shalt  }
0x44: {  	_ =	shalt  }
0x45: {  	_ =	shalt  }
0x46: {  	_ =	shalt  }
0x47: {  	_ =	shalt  }
0x48: {  	_ =	shalt  }
0x49: {  	_ =	shalt  }
0x4a: {  	_ =	shalt  }
0x4b: {  	_ =	shalt  }
0x4c: {  	_ =	shalt  }
0x4d: {  	_ =	shalt  }
0x4e: {  	_ =	shalt  }
0x4f: {  	_ =	shalt  }
0x50: {  	_ =	shalt  }
0x51: {  	_ =	shalt  }
0x52: {  	_ =	shalt  }
0x53: {  	_ =	shalt  }
0x54: {  	_ =	shalt  }
0x55: {  	_ =	shalt  }
0x56: {  	_ =	shalt  }
0x57: {  	_ =	shalt  }
0x58: {  	_ =	shalt  }
0x59: {  	_ =	shalt  }
0x5a: {  	_ =	shalt  }
0x5b: {  	_ =	shalt  }
0x5c: {  	_ =	shalt  }
0x5d: {  	_ =	shalt  }
0x5e: {  	_ =	shalt  }
0x5f: {  	_ =	shalt  }
0x60: {  	_ =	shalt  }
0x61: {  	_ =	shalt  }
0x62: {  	_ =	shalt  }
0x63: {  	_ =	shalt  }
0x64: {  	_ =	shalt  }
0x65: {  	_ =	shalt  }
0x66: {  	_ =	shalt  }
0x67: {  	_ =	shalt  }
0x68: {  	_ =	shalt  }
0x69: {  	_ =	shalt  }
0x6a: {  	_ =	shalt  }
0x6b: {  	_ =	shalt  }
0x6c: {  	_ =	shalt  }
0x6d: {  	_ =	shalt  }
0x6e: {  	_ =	shalt  }
0x6f: {  	_ =	shalt  }
0x70: {  	_ =	shalt  }
0x71: {  	_ =	shalt  }
0x72: {  	_ =	shalt  }
0x73: {  	_ =	shalt  }
0x74: {  	_ =	shalt  }
0x75: {  	_ =	shalt  }
0x76: {  	_ =	shalt  }
0x77: {  	_ =	shalt  }
0x78: {  	_ =	shalt  }
0x79: {  	_ =	shalt  }
0x7a: {  	_ =	shalt  }
0x7b: {  	_ =	shalt  }
0x7c: {  	_ =	shalt  }
0x7d: {  	_ =	shalt  }
0x7e: {  	_ =	shalt  }
0x7f: {  	_ =	shalt  }
0x80: {  	_ =	shalt  }
0x81: {  	_ =	shalt  }
0x82: {  	_ =	shalt  }
0x83: {  	_ =	shalt  }
0x84: {  	_ =	shalt  }
0x85: {  	_ =	shalt  }
0x86: {  	_ =	shalt  }
0x87: {  	_ =	shalt  }
.Lfunc_end0:
.L_simem_size_0:
called_computation_lowered:
.L_overlay_start_0:
0x88: {  	s2 =	sld [smem:$0x3FD9]  }
0x89: {  	s3 =	sld [smem:$0x3FFE];
	_ =	sdelay $0x1  }
0x8a: {  	s1 =	srdreg.scid  }
0x8b: {  	s0 =	sand.u32 $0x1, s1  }
0x8c: {  	s17 =	sshll.u32 s0, $0xA;
	s2 =	sadd.s32 s3, s2  }
0x8d: {  	s2 =	sadd.s32 s2, s17  }
0x8e: {  	[smem:$0x3FC6] =	sst s2  }
0x8f: {  	_ = 	snop  }
0x90: {  	s2 =	sld [smem:$0x3FD0];
	(tm) =	ssettm $0x1  }
0x91: {  	s18 =	sld [smem:$0x3FFB];
	_ =	sdelay $0x3  }
0x92: {  	_ =	strace s18  }
0x93: {  	s3 =	sld [smem:$0x3FFC];
	_ =	sdelay $0x3  }
0x94: {  	_ =	strace s3  }
0x95: {  	s3 =	sld [smem:$0x3FFD];
	_ =	sdelay $0x3  }
0x96: {  	_ =	strace s3  }
0x97: {  	_ =	strace $0x8FFFFFFF  }
0x98: {  	s19 =	sld [smem:$0x3FDB];
	_ =	sdelay $0x1  }
0x99: {  	s4 =	simm.s32 $_scs_section_size  }
0x9a: {  	s5 =	simm.s32 $_size__tile_overlayer_lowered;
	s6 =	simm.s32 $_tile_overlayer_lowered  }
0x9b: {  	s22 =	simm.s32 $0x1BFF;
	s21 =	sshll.u32 s6, $0x1;
	s3 =	sadd.s32 s4, s19  }
0x9c: {  	s7 =	simm.s32 $0x0;
	s20 =	sshll.u32 s5, $0x1;
	s5 =	sadd.s32 s21, s3  }
0x9d: {  	[timem:s7], [sflag:s22] =	dma.local [hbm:s5], s20  }
0x9e: {  	_ =	swait.ge [sflag:s22], s20  }
0x9f: {  	s4 =	ssub.s32 $0x0, s20;
	[sflag:s22] =	ssyncset.done $0x0  }
0xa0: {  	[sflag:s22] =	ssyncadd.s32 s4;
	_ =	sdelay $0x1  }
0xa1: {  	s23 =	simm.s32 $0x1B8B  }
0xa2: {  	_ =	swait.ge [sflag:s23], $0x1  }
0xa3: {  	[sflag:s23] =	ssyncset.done $0x0  }
0xa4: {  	s25 =	simm.s32 $0x1B8E;
	s24 =	sld [smem:$0x3FFE];
	[sflag:s23] =	ssyncadd.s32 $0xFFFFFFFF  }
0xa5: {  	s26 =	simm.s32 $execute0_lowered;
	[smem:$0x3FD2] =	sst s25  }
0xa6: {  	s5 =	sshll.u32 s26, $0x1;
	_ =	strace $0x80000046;
	[dreg:$0x1] =	wrdreg $0xFFFFFFFF  }
0xa7: {  	s28 =	simm.s32 $_size_execute0_lowered;
	s3 =	sadd.s32 s3, s5;
	[dreg:$0x0] =	wrdreg $0x0  }
0xa8: {  	s5 =	sshll.u32 s28, $0x1;
	[dreg:$0x2] =	wrdreg s3  }
0xa9: {  	[dreg:$0x3] =	wrdreg s5  }
0xaa: {  	[dreg:$0x4] =	wrdreg $0xC0  }
0xab: {  	_ =	task [dreg:s7], $0x5FFFF  }
0xac: {  	[dreg:$0x1] =	wrdreg $0xFFFFFFFF  }
0xad: {  	[dreg:$0x0] =	wrdreg $0x60  }
0xae: {  	[dreg:$0x2] =	wrdreg s24  }
0xaf: {  	[dreg:$0x3] =	wrdreg s2  }
0xb0: {  	[dreg:$0x4] =	wrdreg $0x9  }
0xb1: {  	_ =	task.clear_ibuf [dreg:s7], $0x5FFFF;
	_ =	strace $0x90000046  }
0xb2: {  	s29 =	simm.s32 $0x9;
	_ =	strace $0x80000048  }
0xb3: {  	_ =	swait.ge [sflag:s29], $0x1  }
0xb4: {  	[sflag:s29] =	ssyncadd.s32 $0xFFFFFFFF  }
0xb5: {  	_ =	strace $0x90000048  }
0xb6: {  	_ =	sfence  }
0xb7: {  	s30 =	sld [smem:$0x0];
	_ =	sdelay $0x2  }
0xb8: {  	s31 =	sshll.u32 s1, $0xD;
	s1 =	sshrl.u32 s1, $0x2  }
0xb9: {  	s3 =	sand.u32 $0x4000, s31;
	s1 =	sadd.s32 s1, s30  }
0xba: {  	s0 =	sor.u32 s3, s0;
	s1 =	sshll.u32 s1, $0x11  }
0xbb: {  	s0 =	sor.u32 s1, s0  }
0xbc: {  	s0 =	sadd.s32 $0x8F2B, s0  }
0xbd: {  	[sflag:s0] =	ssyncadd.remote.s32 $0x1  }
0xbe: {  	_ =	sfence.sel $0xFFFF  }
0xbf: {  	[dreg:$0x0] =	wrdreg $0xFFFFFFFF;
	(pc) =	sbr.abs _section_cstart, $3  }
0xc0: {  	[dreg:$0x1] =	wrdreg $0xFFFFFFFF  }
0xc1: {  	_ =	task.clear_ibuf [dreg:s7], $0x2FFFF;
	_ =	strace $0x9FFFFFFF  }
0xc2: {  	(tm) =	ssettm $0x7FFFFFFF  }
0xc3: {  	_ =	shalt  }
tec
execute0_lowered:
.L_overlay_start_1:
0x0: {  	(tag) =	ssettag $0x1  }
0x1: {  	v0 =	vimm.s32 $0xF80;
	vm0 =	vcmask $0x300;
	v1 =	vimm.s32 $0x2780  }
0x2: {  	vm1 =	vcmask $0x704;
	v0 =	vsel vm0, $0x0, v0;
	v1 =	vsel vm0, $0x1800, v1  }
0x3: {  	vm15 =	vcmask $0xB08;
	v0 =	vsel vm1, $0x80, v0;
	v1 =	vsel vm1, $0x1880, v1  }
0x4: {  	vm4 =	vcmask $0xF0C;
	v0 =	vsel vm15, $0x100, v0;
	v1 =	vsel vm15, $0x1900, v1  }
0x5: {  	vm5 =	vcmask $0x1310;
	v0 =	vsel vm4, $0x180, v0;
	v1 =	vsel vm4, $0x1980, v1  }
0x6: {  	vm6 =	vcmask $0x1714;
	v0 =	vsel vm5, $0x200, v0;
	v1 =	vsel vm5, $0x1A00, v1  }
0x7: {  	vm7 =	vcmask $0x1B18;
	v0 =	vsel vm6, $0x280, v0;
	v1 =	vsel vm6, $0x1A80, v1  }
0x8: {  	s1 =	srdreg.scid;
	vm8 =	vcmask $0x1F1C;
	s4 =	rddreg [dreg:$0x0];
	v0 =	vsel vm7, $0x300, v0;
	v1 =	vsel vm7, $0x1B00, v1  }
0x9: {  	s0 =	stileid.u32;
	vm9 =	vcmask $0x2320;
	s5 =	rddreg [dreg:$0x1];
	v0 =	vsel vm8, $0x380, v0;
	v1 =	vsel vm8, $0x1B80, v1  }
0xa: {  	vm10 =	vcmask $0x2724;
	s10 =	simm.s32 $0x0;
	s3 =	sand.u32 $0x1, s1;
	s31 =	sshll.u32 s0, $0x3;
	v0 =	vsel vm9, $0xC00, v0;
	v1 =	vsel vm9, $0x2400, v1  }
0xb: {  	vm11 =	vcmask $0x2B28;
	s1 =	rddreg [dreg:$0x2];
	s2 =	sshll.u32 s3, $0x2;
	s8 =	ssub.s32 $0x2, s3;
	v0 =	vsel vm10, $0xC80, v0;
	v1 =	vsel vm10, $0x2480, v1  }
0xc: {  	vm12 =	vcmask $0x2F2C;
	s3 =	sadd.s32 $0xCC00, s4;
	s6 =	sor.u32 s2, s31;
	s2 =	simm.s32 $0x0;
	v0 =	vsel vm11, $0xD00, v0;
	v1 =	vsel vm11, $0x2500, v1  }
0xd: {  	vm13 =	vcmask $0x3330;
	s9 =	sshrl.u32 s8, $0x1;
	s7 =	smul.u32 $0x180, s6;
	[smem:$0x7FF] =	sst s2;
	v0 =	vsel vm12, $0xD80, v0;
	v1 =	vsel vm12, $0x2580, v1  }
0xe: {  	vm14 =	vcmask $0x3734;
	s8 =	ssub.s32 s8, s9;
	s5 =	sadd.s32 s5, s6;
	s9 =	simm.s32 $0x3080;
	v0 =	vsel vm13, $0xE00, v0;
	v1 =	vsel vm13, $0x2600, v1  }
0xf: {  	vm15 =	vcmask $0x3B38;
	_ =	strace $0x80000047;
	s6 =	smax.u32 s8, $0x1;
	s7 =	sadd.s32 s7, s4;
	v0 =	vsel vm14, $0xE80, v0;
	v1 =	vsel vm14, $0x2680, v1  }
0x10: {  	s8 =	simm.s32 $0x3000;
	s4 =	sadd.s32 $0xC00, s7;
	s7 =	simm.s32 $0x1;
	v0 =	vsel vm15, $0xF00, v0;
	v1 =	vsel vm15, $0x2700, v1  }
.LBB2_1:
0x11: {  	s11 =	simm.s32 $0x0  }
0x12: {  	s12 =	simm.s32 $0x1;
	v2 =	vmov s11  }
0x13: {  	[tilespmem:s2], [sflag:$0x1] =	stream.linear.gather [hbm4b:s4+s2], $0x3000, $0x38;
	v4 =	vshll.u32 v2, $0x3;
	[tilespmem:$0x3100] =	vst v63  }
0x14: {  	v3 =	vmov s12;
	_ =	swait.ge [sflag:s7], $0x3000;
	v2 =	vand.u32 $0x7C, v2;
	v4 =	vand.u32 $0xC00, v4  }
0x15: {  	s30 =	simm.s32 $0x2;
	v5 =	vshll.u32 v3, $0x3;
	[sflag:s7] =	ssyncset.done $0x0;
	v3 =	vand.u32 $0x7D, v3;
	v2 =	vor.u32 v2, v4  }
0x16: {  	[sflag:s7] =	ssyncadd.s32 $0xFFFFD000;
	v4 =	vand.u32 $0xC00, v5;
	v5 =	vmov s30;
	v2 =	vadd.s32 v0, v2  }
0x17: {  	[tilespmem:s8], [sflag:$0x1] =	stream.linear.gather [hbm4b:s3+s2], $0x10, $0x38;
	v3 =	vor.u32 v3, v4;
	v4 =	vshll.u32 v5, $0x3;
	[tilespmem:$0x3100] =	vst v63  }
0x18: {  	_ =	swait.ge [sflag:s7], $0x10;
	v5 =	vand.u32 $0x7E, v5;
	v3 =	vadd.s32 v0, v3;
	v4 =	vand.u32 $0xC00, v4  }
0x19: {  	s31 =	simm.s32 $0x3;
	[sflag:s7] =	ssyncset.done $0x0;
	v4 =	vor.u32 v5, v4  }
0x1a: {  	v5 =	vmov s31;
	[sflag:s7] =	ssyncadd.s32 $0xFFFFFFF0;
	v4 =	vadd.s32 v0, v4  }
0x1b: {  	v6 =	vshll.u32 v5, $0x3;
	v2 =	vld.idx.msk [tilespmem:v2+s2+$0x0], $0xffff  }
0x1c: {  	v5 =	vand.u32 $0x7F, v5;
	v6 =	vand.u32 $0xC00, v6  }
0x1d: {  	v5 =	vor.u32 v5, v6;
	v3 =	vld.idx.msk [tilespmem:v3+s2+$0x0], $0xffff  }
0x1e: {  	v5 =	vadd.s32 v0, v5  }
0x1f: {  	v7 =	vimm.f32 $-Inf;
	v4 =	vld.idx.msk [tilespmem:v4+s2+$0x0], $0xffff  }
0x20: {  	v6 =	vmin.f32 v7, v2  }
0x21: {  	v2 =	vmax.f32 v7, v2;
	v8 =	vmax.f32 v7, v6;
	v6 =	vmin.f32 v7, v6  }
0x22: {  	v10 =	vmax.f32 v2, v3;
	v2 =	vmin.f32 v2, v3;
	v9 =	vmin.f32 v7, v6  }
0x23: {  	v5 =	vld.idx.msk [tilespmem:v5+s2+$0x0], $0xffff;
	v6 =	vmax.f32 v7, v6;
	v11 =	vmax.f32 v7, v9;
	v3 =	vmin.f32 v7, v9  }
0x24: {  	v9 =	vmax.f32 v8, v2;
	v2 =	vmin.f32 v8, v2;
	v8 =	vmin.f32 v10, v4  }
0x25: {  	v4 =	vmax.f32 v10, v4;
	v12 =	vmin.f32 v7, v3;
	v13 =	vmax.f32 v6, v2  }
0x26: {  	v2 =	vmin.f32 v6, v2;
	v10 =	vmax.f32 v9, v8;
	v3 =	vmax.f32 v7, v3  }
0x27: {  	v6 =	vmin.f32 v11, v2;
	v18 =	vmax.f32 v7, v12;
	v2 =	vmax.f32 v11, v2  }
0x28: {  	v14 =	vmin.f32 v4, v5;
	v19 =	vmax.f32 v3, v6;
	v20 =	vmin.f32 v3, v6  }
0x29: {  	v6 =	vmin.f32 v9, v8;
	v4 =	vmax.f32 v4, v5;
	v5 =	vmin.f32 v7, v12  }
0x2a: {  	v3 =	vmax.f32 v10, v14;
	v11 =	vmax.f32 v13, v6;
	v9 =	vmin.f32 v13, v6  }
0x2b: {  	v12 =	vmax.f32 v7, v5;
	v5 =	vmin.f32 v7, v5;
	v15 =	vmin.f32 v10, v14  }
0x2c: {  	v10 =	vmin.f32 v18, v20;
	v6 =	vmax.f32 v2, v9;
	v13 =	vmax.f32 v7, v5  }
0x2d: {  	v5 =	vmin.f32 v7, v5;
	v8 =	vmin.f32 v11, v15;
	v2 =	vmin.f32 v2, v9  }
0x2e: {  	v17 =	vmin.f32 v12, v10;
	v9 =	vmax.f32 v18, v20;
	v16 =	vmax.f32 v7, v5  }
0x2f: {  	v14 =	vmin.f32 v7, v5;
	v5 =	vmax.f32 v12, v10;
	v18 =	vmin.f32 v13, v17  }
0x30: {  	v7 =	vmax.f32 v7, v14;
	v14 =	vmax.f32 v19, v2;
	v19 =	vmin.f32 v19, v2  }
0x31: {  	s11 =	simm.s32 $0x7;
	v2 =	vld [tilespmem:$0x3000];
	v12 =	vmin.f32 v16, v18;
	v10 =	vmax.f32 v9, v19;
	v9 =	vmin.f32 v9, v19  }
.LBB2_2:
0x32: {  	s12 =	sadd.s32 $0xFFFFFFFD, s11;
	s13 =	sadd.s32 $0xFFFFFFFE, s11;
	s14 =	sadd.s32 $0xFFFFFFFF, s11;
	v16 =	vmax.f32 v16, v18;
	v11 =	vmax.f32 v11, v15;
	v15 =	vmin.f32 v6, v8  }
0x33: {  	p0 =	sne.s32 s11, $0x13F;
	v13 =	vmax.f32 v13, v17;
	v18 =	vmov s12;
	v19 =	vmov s13;
	s12 =	smov.u32 s11;
	s11 =	sadd.s32 $0x4, s11  }
0x34: {  	v20 =	vmin.f32 v14, v15;
	v17 =	vand.u32 $0x7C, v18;
	v18 =	vshll.u32 v18, $0x3  }
0x35: {  	v21 =	vshll.u32 v19, $0x3;
	v22 =	vmax.f32 v10, v20;
	v18 =	vand.u32 $0xC00, v18  }
0x36: {  	v14 =	vmax.f32 v14, v15;
	v17 =	vor.u32 v17, v18;
	v18 =	vand.u32 $0xC00, v21  }
0x37: {  	v15 =	vadd.s32 v0, v17;
	v17 =	vand.u32 $0x7D, v19;
	v19 =	vmov s14  }
0x38: {  	v6 =	vmax.f32 v6, v8;
	v17 =	vor.u32 v17, v18;
	v18 =	vshll.u32 v19, $0x3  }
0x39: {  	v8 =	vadd.s32 v0, v17;
	v17 =	vand.u32 $0x7E, v19;
	v18 =	vand.u32 $0xC00, v18  }
0x3a: {  	v17 =	vor.u32 v17, v18;
	v18 =	vmov s12  }
0x3b: {  	v7 =	vmax.f32 v7, v12;
	v17 =	vadd.s32 v0, v17;
	v19 =	vshll.u32 v18, $0x3  }
0x3c: {  	v10 =	vmin.f32 v10, v20;
	v12 =	vld.idx.msk [tilespmem:v15+s2+$0x0], $0xffff;
	v15 =	vand.u32 $0x7F, v18;
	v18 =	vand.u32 $0xC00, v19  }
0x3d: {  	v15 =	vor.u32 v15, v18;
	v18 =	vmax.f32 v5, v9;
	v5 =	vmin.f32 v5, v9  }
0x3e: {  	v8 =	vld.idx.msk [tilespmem:v8+s2+$0x0], $0xffff;
	v9 =	vadd.s32 v0, v15;
	v15 =	vmin.f32 v13, v5;
	v19 =	vmin.f32 v18, v10  }
0x3f: {  	v5 =	vmax.f32 v13, v5;
	v13 =	vmax.f32 v16, v15;
	v15 =	vmin.f32 v16, v15  }
0x40: {  	v16 =	vld.idx.msk [tilespmem:v17+s2+$0x0], $0xffff;
	v7 =	vmax.f32 v7, v15;
	v15 =	vmax.f32 v5, v19;
	v5 =	vmin.f32 v5, v19  }
0x41: {  	v10 =	vmax.f32 v18, v10;
	v17 =	vmax.f32 v13, v5;
	v5 =	vmin.f32 v13, v5  }
0x42: {  	v13 =	vmax.f32 v4, v12;
	v4 =	vmin.f32 v4, v12;
	v7 =	vmax.f32 v7, v5  }
0x43: {  	v5 =	vmax.f32 v3, v4;
	v3 =	vmin.f32 v3, v4;
	v4 =	vld.idx.msk [tilespmem:v9+s2+$0x0], $0xffff  }
0x44: {  	v9 =	vmin.f32 v11, v3;
	v12 =	vmax.f32 v13, v8;
	v8 =	vmin.f32 v13, v8  }
0x45: {  	v13 =	vmax.f32 v6, v9;
	v6 =	vmin.f32 v6, v9;
	v9 =	vmax.f32 v5, v8  }
0x46: {  	v3 =	vmax.f32 v11, v3;
	v5 =	vmin.f32 v5, v8;
	v8 =	vmin.f32 v12, v16  }
0x47: {  	v11 =	vmin.f32 v14, v6;
	v18 =	vmax.f32 v3, v5;
	v5 =	vmin.f32 v3, v5  }
0x48: {  	v12 =	vmax.f32 v12, v16;
	v3 =	vmin.f32 v13, v5;
	v16 =	vmax.f32 v9, v8  }
0x49: {  	v6 =	vmax.f32 v14, v6;
	v19 =	vmax.f32 v22, v11;
	v14 =	vmin.f32 v12, v4  }
0x4a: {  	v20 =	vmax.f32 v6, v3;
	v21 =	vmin.f32 v6, v3;
	v3 =	vmax.f32 v16, v14  }
0x4b: {  	v23 =	vmax.f32 v13, v5;
	v5 =	vmin.f32 v9, v8;
	v4 =	vmax.f32 v12, v4  }
0x4c: {  	v6 =	vmin.f32 v22, v11;
	v11 =	vmax.f32 v18, v5;
	v9 =	vmin.f32 v18, v5  }
0x4d: {  	v12 =	vmax.f32 v10, v6;
	v5 =	vmin.f32 v10, v6;
	v6 =	vmax.f32 v23, v9  }
0x4e: {  	v13 =	vmax.f32 v15, v5;
	v5 =	vmin.f32 v15, v5;
	v15 =	vmin.f32 v16, v14  }
.Ltmp0:
0x4f: {  	v10 =	vmin.f32 v19, v21;
	v16 =	vmax.f32 v17, v5;
	v8 =	vmin.f32 v11, v15;
	(pc) =	sbr.rel @p0 .LBB2_2-.Ltmp0, $4  }
0x50: {  	v9 =	vmin.f32 v23, v9;
	v14 =	vmin.f32 v17, v5;
	v5 =	vmax.f32 v12, v10  }
0x51: {  	v17 =	vmin.f32 v12, v10;
	v7 =	vmax.f32 v7, v14;
	v14 =	vmax.f32 v20, v9  }
0x52: {  	v19 =	vmax.f32 v19, v21;
	v18 =	vmin.f32 v13, v17;
	v9 =	vmin.f32 v20, v9  }
0x53: {  	v12 =	vmin.f32 v16, v18;
	v10 =	vmax.f32 v19, v9;
	v9 =	vmin.f32 v19, v9  }
0x54: {  	v2 =	vmul.f32 $9.765624750e-09, v2;
	_ =	sdelay $0x1  }
0x55: {  	(erf) = vrcp.f32 v2;
	_ =	sdelay $0x7  }
0x56: {  	v16 =	vmax.f32 v16, v18;
	v11 =	vmax.f32 v11, v15;
	v15 =	vmin.f32 v6, v8  }
0x57: {  	v13 =	vmax.f32 v13, v17;
	v4 =	vmax.f32 v4, $0.0e+00;
	v6 =	vmax.f32 v6, v8;
	v2 =	vpop (erf)  }
0x58: {  	v7 =	vmax.f32 v7, v12;
	v17 =	vmin.f32 v14, v15;
	v4 =	vmul.f32 v4, v2  }
0x59: {  	v3 =	vmax.f32 v3, $0.0e+00;
	v14 =	vmax.f32 v14, v15;
	v18 =	vmax.f32 v10, v17  }
0x5a: {  	v8 =	vmin.f32 v10, v17;
	v3 =	vmul.f32 v3, v2;
	v4 =	vadd.f32 $9.999999740e-06, v4  }
0x5b: {  	v10 =	vmax.f32 v5, v9;
	v5 =	vmin.f32 v5, v9;
	v9 =	vmax.f32 v11, $0.0e+00  }
0x5c: {  	v3 =	vadd.f32 $9.999999740e-06, v3;
	(erf) = vrcp.f32 v4;
	v4 =	vmul.f32 v9, v2  }
0x5d: {  	v11 =	vmin.f32 v10, v8;
	v8 =	vmax.f32 v10, v8;
	v10 =	vmax.f32 v18, $0.0e+00  }
0x5e: {  	(erf) = vrcp.f32 v3;
	v3 =	vadd.f32 $9.999999740e-06, v4;
	v4 =	vmax.f32 v6, $0.0e+00  }
0x5f: {  	v9 =	vmin.f32 v13, v5;
	v5 =	vmax.f32 v13, v5;
	v4 =	vmul.f32 v4, v2  }
0x60: {  	v6 =	vmax.f32 v16, v9;
	(erf) = vrcp.f32 v3;
	v3 =	vmax.f32 v14, $0.0e+00  }
0x61: {  	v9 =	vmin.f32 v16, v9;
	v4 =	vadd.f32 $9.999999740e-06, v4;
	v3 =	vmul.f32 v3, v2  }
0x62: {  	v7 =	vmax.f32 v7, v9;
	v9 =	vmax.f32 v5, v11;
	v5 =	vmin.f32 v5, v11  }
0x63: {  	(erf) = vrcp.f32 v4;
	v3 =	vadd.f32 $9.999999740e-06, v3;
	v4 =	vmul.f32 v10, v2  }
0x64: {  	v10 =	vmax.f32 v6, v5;
	v5 =	vmin.f32 v6, v5;
	v6 =	vmax.f32 v8, $0.0e+00  }
0x65: {  	v8 =	vpop (erf);
	(erf) = vrcp.f32 v3;
	v3 =	vadd.f32 $9.999999740e-06, v4;
	v4 =	vmul.f32 v6, v2  }
0x66: {  	v5 =	vmax.f32 v7, v5;
	v6 =	vmul.f32 $9.999999740e-06, v8  }
0x67: {  	v7 =	vmax.f32 v9, $0.0e+00;
	v8 =	vpop (erf);
	(erf) = vrcp.f32 v3;
	v3 =	vadd.f32 $9.999999740e-06, v4  }
0x68: {  	v4 =	vmul.f32 v7, v2;
	v7 =	vmul.f32 $9.999999740e-06, v8;
	v6 =	vadd.f32 $0.0e+00, v6;
	_ =	sdelay $0x1  }
0x69: {  	v8 =	vmax.f32 v10, $0.0e+00;
	v6 =	vadd.f32 v7, v6  }
0x6a: {  	v9 =	vpop (erf);
	(erf) = vrcp.f32 v3;
	v3 =	vadd.f32 $9.999999740e-06, v4;
	v4 =	vmul.f32 v8, v2  }
0x6b: {  	v5 =	vmax.f32 v5, $0.0e+00;
	v7 =	vmul.f32 $9.999999740e-06, v9  }
0x6c: {  	(erf) = vrcp.f32 v3;
	v3 =	vadd.f32 $9.999999740e-06, v4;
	v4 =	vmul.f32 v5, v2  }
0x6d: {  	v5 =	vadd.f32 v7, v6;
	v6 =	vpop (erf)  }
0x6e: {  	(erf) = vrcp.f32 v3;
	v3 =	vadd.f32 $9.999999740e-06, v4;
	v6 =	vmul.f32 $9.999999740e-06, v6;
	_ =	sdelay $0x1  }
0x6f: {  	v4 =	vpop (erf);
	v5 =	vadd.f32 v6, v5  }
0x70: {  	v4 =	vmul.f32 $9.999999740e-06, v4;
	(erf) = vrcp.f32 v3  }
0x71: {  	v3 =	vpop (erf)  }
0x72: {  	v4 =	vadd.f32 v4, v5;
	v3 =	vmul.f32 $9.999999740e-06, v3  }
0x73: {  	v5 =	vpop (erf)  }
0x74: {  	v3 =	vadd.f32 v3, v4;
	v4 =	vmul.f32 $9.999999740e-06, v5  }
0x75: {  	v5 =	vpop (erf)  }
0x76: {  	v3 =	vadd.f32 v4, v3;
	v4 =	vmul.f32 $9.999999740e-06, v5  }
0x77: {  	v5 =	vpop (erf)  }
0x78: {  	v3 =	vadd.f32 v4, v3;
	v4 =	vmul.f32 $9.999999740e-06, v5  }
0x79: {  	v5 =	vpop (erf)  }
0x7a: {  	v3 =	vadd.f32 v4, v3;
	v4 =	vmul.f32 $9.999999740e-06, v5;
	_ =	sdelay $0x1  }
0x7b: {  	v3 =	vadd.f32 v4, v3;
	_ =	sdelay $0x1  }
0x7c: {  	v3 =	vadd.f32 $9.999999740e-06, v3;
	_ =	sdelay $0x1  }
0x7d: {  	v4 =	vshra.s32 v3, $0x1;
	v3 =	vmul.f32 $5.000000000e-01, v3  }
0x7e: {  	v4 =	vsub.s32 $0x5F3759DF, v4  }
0x7f: {  	v5 =	vmul.f32 v4, v3;
	_ =	sdelay $0x1  }
0x80: {  	v5 =	vmul.f32 v4, v5;
	_ =	sdelay $0x1  }
0x81: {  	v5 =	vsub.f32 $1.500000000e+00, v5;
	_ =	sdelay $0x1  }
0x82: {  	v4 =	vmul.f32 v4, v5;
	_ =	sdelay $0x1  }
0x83: {  	v5 =	vmul.f32 v4, v3;
	_ =	sdelay $0x1  }
0x84: {  	v5 =	vmul.f32 v5, v4;
	_ =	sdelay $0x1  }
0x85: {  	v5 =	vsub.f32 $1.500000000e+00, v5;
	_ =	sdelay $0x1  }
0x86: {  	v4 =	vmul.f32 v5, v4;
	_ =	sdelay $0x1  }
0x87: {  	s11 =	simm.s32 $0x0;
	v3 =	vmul.f32 v4, v3  }
0x88: {  	v5 =	vmov s11  }
0x89: {  	s12 =	simm.s32 $0x1;
	v7 =	vshll.u32 v5, $0x3;
	v3 =	vmul.f32 v3, v4  }
0x8a: {  	v6 =	vmov s12;
	v5 =	vand.u32 $0x7C, v5;
	v7 =	vand.u32 $0xC00, v7  }
0x8b: {  	v8 =	vshll.u32 v6, $0x3;
	v5 =	vor.u32 v5, v7;
	v3 =	vsub.f32 $1.500000000e+00, v3  }
0x8c: {  	s30 =	simm.s32 $0x2;
	v6 =	vand.u32 $0x7D, v6;
	v7 =	vand.u32 $0xC00, v8;
	v5 =	vadd.s32 v1, v5  }
0x8d: {  	v8 =	vmov s30;
	v3 =	vmul.f32 v3, v4;
	v4 =	vor.u32 v6, v7  }
0x8e: {  	v6 =	vshll.u32 v8, $0x3;
	v4 =	vadd.s32 v1, v4  }
0x8f: {  	v7 =	vand.u32 $0x7E, v8;
	v6 =	vand.u32 $0xC00, v6  }
0x90: {  	s31 =	simm.s32 $0x3;
	v6 =	vor.u32 v7, v6;
	[tilespmem:$0x3080] =	vst v3  }
0x91: {  	v7 =	vmov s31;
	v3 =	vadd.s32 v1, v6;
	v5 =	vld.idx.msk [tilespmem:v5+s2+$0x0], $0xffff  }
0x92: {  	v6 =	vshll.u32 v7, $0x3  }
0x93: {  	v7 =	vand.u32 $0x7F, v7;
	v6 =	vand.u32 $0xC00, v6;
	v4 =	vld.idx.msk [tilespmem:v4+s2+$0x0], $0xffff  }
0x94: {  	v6 =	vor.u32 v7, v6  }
0x95: {  	v7 =	vimm.f32 $-Inf;
	v6 =	vadd.s32 v1, v6  }
0x96: {  	v3 =	vld.idx.msk [tilespmem:v3+s2+$0x0], $0xffff;
	v8 =	vmin.f32 v7, v5  }
0x97: {  	v5 =	vmax.f32 v7, v5;
	v9 =	vmax.f32 v7, v8;
	v8 =	vmin.f32 v7, v8  }
0x98: {  	v10 =	vmin.f32 v7, v8;
	v8 =	vmax.f32 v7, v8;
	v11 =	vmax.f32 v5, v4  }
0x99: {  	v4 =	vmin.f32 v5, v4;
	v5 =	vmax.f32 v7, v10;
	v10 =	vmin.f32 v7, v10  }
0x9a: {  	v6 =	vld.idx.msk [tilespmem:v6+s2+$0x0], $0xffff;
	v12 =	vmax.f32 v9, v4;
	v4 =	vmin.f32 v9, v4;
	v13 =	vmin.f32 v7, v10  }
0x9b: {  	v9 =	vmin.f32 v11, v3;
	v14 =	vmax.f32 v8, v4;
	v4 =	vmin.f32 v8, v4  }
0x9c: {  	v11 =	vmax.f32 v11, v3;
	v3 =	vmax.f32 v7, v10;
	v10 =	vmax.f32 v7, v13  }
0x9d: {  	v8 =	vmin.f32 v5, v4;
	v15 =	vmax.f32 v12, v9;
	v17 =	vmax.f32 v5, v4  }
0x9e: {  	v5 =	vmin.f32 v12, v9;
	v19 =	vmax.f32 v3, v8;
	v18 =	vmin.f32 v3, v8  }
0x9f: {  	v9 =	vmin.f32 v14, v5;
	v16 =	vmin.f32 v11, v6;
	v4 =	vmax.f32 v11, v6  }
0xa0: {  	v6 =	vmin.f32 v7, v13;
	v11 =	vmax.f32 v14, v5;
	v14 =	vmin.f32 v10, v18  }
0xa1: {  	v3 =	vmax.f32 v15, v16;
	v12 =	vmax.f32 v7, v6;
	v5 =	vmin.f32 v7, v6  }
0xa2: {  	v6 =	vmax.f32 v17, v9;
	v15 =	vmin.f32 v15, v16;
	v9 =	vmin.f32 v17, v9  }
0xa3: {  	v13 =	vmax.f32 v7, v5;
	v5 =	vmin.f32 v7, v5;
	v8 =	vmin.f32 v11, v15  }
0xa4: {  	v17 =	vmin.f32 v12, v14;
	v16 =	vmax.f32 v7, v5;
	v20 =	vmin.f32 v7, v5  }
0xa5: {  	v5 =	vmax.f32 v12, v14;
	v14 =	vmax.f32 v19, v9;
	v9 =	vmin.f32 v19, v9  }
0xa6: {  	v7 =	vmax.f32 v7, v20;
	v20 =	vmax.f32 v10, v18;
	v18 =	vmin.f32 v13, v17  }
0xa7: {  	s11 =	simm.s32 $0x7;
	v12 =	vmin.f32 v16, v18;
	v10 =	vmax.f32 v20, v9;
	v9 =	vmin.f32 v20, v9  }
.LBB2_4:
0xa8: {  	s12 =	sadd.s32 $0xFFFFFFFD, s11;
	s13 =	sadd.s32 $0xFFFFFFFE, s11;
	s14 =	sadd.s32 $0xFFFFFFFF, s11;
	v16 =	vmax.f32 v16, v18;
	v11 =	vmax.f32 v11, v15;
	v15 =	vmin.f32 v6, v8  }
0xa9: {  	p0 =	sne.s32 s11, $0x13F;
	v13 =	vmax.f32 v13, v17;
	v18 =	vmov s12;
	v19 =	vmov s13;
	s12 =	smov.u32 s11;
	s11 =	sadd.s32 $0x4, s11  }
0xaa: {  	v20 =	vmin.f32 v14, v15;
	v17 =	vand.u32 $0x7C, v18;
	v18 =	vshll.u32 v18, $0x3  }
0xab: {  	v21 =	vshll.u32 v19, $0x3;
	v22 =	vmax.f32 v10, v20;
	v18 =	vand.u32 $0xC00, v18  }
0xac: {  	v14 =	vmax.f32 v14, v15;
	v17 =	vor.u32 v17, v18;
	v18 =	vand.u32 $0xC00, v21  }
0xad: {  	v15 =	vadd.s32 v1, v17;
	v17 =	vand.u32 $0x7D, v19;
	v19 =	vmov s14  }
0xae: {  	v6 =	vmax.f32 v6, v8;
	v17 =	vor.u32 v17, v18;
	v18 =	vshll.u32 v19, $0x3  }
0xaf: {  	v8 =	vadd.s32 v1, v17;
	v17 =	vand.u32 $0x7E, v19;
	v18 =	vand.u32 $0xC00, v18  }
0xb0: {  	v17 =	vor.u32 v17, v18;
	v18 =	vmov s12  }
0xb1: {  	v7 =	vmax.f32 v7, v12;
	v17 =	vadd.s32 v1, v17;
	v19 =	vshll.u32 v18, $0x3  }
0xb2: {  	v10 =	vmin.f32 v10, v20;
	v12 =	vld.idx.msk [tilespmem:v15+s2+$0x0], $0xffff;
	v15 =	vand.u32 $0x7F, v18;
	v18 =	vand.u32 $0xC00, v19  }
0xb3: {  	v15 =	vor.u32 v15, v18;
	v18 =	vmax.f32 v5, v9;
	v5 =	vmin.f32 v5, v9  }
0xb4: {  	v8 =	vld.idx.msk [tilespmem:v8+s2+$0x0], $0xffff;
	v9 =	vadd.s32 v1, v15;
	v15 =	vmin.f32 v13, v5;
	v19 =	vmin.f32 v18, v10  }
0xb5: {  	v5 =	vmax.f32 v13, v5;
	v13 =	vmax.f32 v16, v15;
	v15 =	vmin.f32 v16, v15  }
0xb6: {  	v16 =	vld.idx.msk [tilespmem:v17+s2+$0x0], $0xffff;
	v7 =	vmax.f32 v7, v15;
	v15 =	vmax.f32 v5, v19;
	v5 =	vmin.f32 v5, v19  }
0xb7: {  	v10 =	vmax.f32 v18, v10;
	v17 =	vmax.f32 v13, v5;
	v5 =	vmin.f32 v13, v5  }
0xb8: {  	v13 =	vmax.f32 v4, v12;
	v4 =	vmin.f32 v4, v12;
	v7 =	vmax.f32 v7, v5  }
0xb9: {  	v5 =	vmax.f32 v3, v4;
	v3 =	vmin.f32 v3, v4;
	v4 =	vld.idx.msk [tilespmem:v9+s2+$0x0], $0xffff  }
0xba: {  	v9 =	vmin.f32 v11, v3;
	v12 =	vmax.f32 v13, v8;
	v8 =	vmin.f32 v13, v8  }
0xbb: {  	v13 =	vmax.f32 v6, v9;
	v6 =	vmin.f32 v6, v9;
	v9 =	vmax.f32 v5, v8  }
0xbc: {  	v3 =	vmax.f32 v11, v3;
	v5 =	vmin.f32 v5, v8;
	v8 =	vmin.f32 v12, v16  }
0xbd: {  	v11 =	vmin.f32 v14, v6;
	v18 =	vmax.f32 v3, v5;
	v5 =	vmin.f32 v3, v5  }
0xbe: {  	v12 =	vmax.f32 v12, v16;
	v3 =	vmin.f32 v13, v5;
	v16 =	vmax.f32 v9, v8  }
0xbf: {  	v6 =	vmax.f32 v14, v6;
	v19 =	vmax.f32 v22, v11;
	v14 =	vmin.f32 v12, v4  }
0xc0: {  	v20 =	vmax.f32 v6, v3;
	v21 =	vmin.f32 v6, v3;
	v3 =	vmax.f32 v16, v14  }
0xc1: {  	v23 =	vmax.f32 v13, v5;
	v5 =	vmin.f32 v9, v8;
	v4 =	vmax.f32 v12, v4  }
0xc2: {  	v6 =	vmin.f32 v22, v11;
	v11 =	vmax.f32 v18, v5;
	v9 =	vmin.f32 v18, v5  }
0xc3: {  	v12 =	vmax.f32 v10, v6;
	v5 =	vmin.f32 v10, v6;
	v6 =	vmax.f32 v23, v9  }
0xc4: {  	v13 =	vmax.f32 v15, v5;
	v5 =	vmin.f32 v15, v5;
	v15 =	vmin.f32 v16, v14  }
.Ltmp1:
0xc5: {  	v10 =	vmin.f32 v19, v21;
	v16 =	vmax.f32 v17, v5;
	v8 =	vmin.f32 v11, v15;
	(pc) =	sbr.rel @p0 .LBB2_4-.Ltmp1, $4  }
0xc6: {  	v9 =	vmin.f32 v23, v9;
	v14 =	vmin.f32 v17, v5;
	v5 =	vmax.f32 v12, v10  }
0xc7: {  	v17 =	vmin.f32 v12, v10;
	v7 =	vmax.f32 v7, v14;
	v14 =	vmax.f32 v20, v9  }
0xc8: {  	v19 =	vmax.f32 v19, v21;
	v18 =	vmin.f32 v13, v17;
	v9 =	vmin.f32 v20, v9  }
0xc9: {  	v12 =	vmin.f32 v16, v18;
	v10 =	vmax.f32 v19, v9;
	v9 =	vmin.f32 v19, v9  }
0xca: {  	v16 =	vmax.f32 v16, v18  }
0xcb: {  	v11 =	vmax.f32 v11, v15;
	v27 =	vmin.f32 v6, v8;
	v4 =	vmax.f32 v4, $0.0e+00  }
0xcc: {  	v13 =	vmax.f32 v13, v17;
	v31 =	vmax.f32 v6, v8;
	v4 =	vmul.f32 v4, v2  }
0xcd: {  	v7 =	vmax.f32 v7, v12;
	v3 =	vmax.f32 v3, $0.0e+00;
	v33 =	vmax.f32 v5, v9  }
0xce: {  	v34 =	vmin.f32 v5, v9;
	v3 =	vmul.f32 v3, v2;
	v4 =	vadd.f32 $9.999999740e-06, v4  }
0xcf: {  	v28 =	vmin.f32 v14, v27;
	v30 =	vmax.f32 v14, v27;
	v35 =	vmax.f32 v11, $0.0e+00  }
0xd0: {  	v36 =	vmul.f32 v35, v2;
	v3 =	vadd.f32 $9.999999740e-06, v3;
	(erf) = vrcp.f32 v4  }
0xd1: {  	v37 =	vmin.f32 v13, v34;
	v5 =	vmax.f32 v13, v34;
	v39 =	vmax.f32 v31, $0.0e+00  }
0xd2: {  	v29 =	vmax.f32 v10, v28;
	(erf) = vrcp.f32 v3;
	v3 =	vadd.f32 $9.999999740e-06, v36  }
0xd3: {  	v32 =	vmin.f32 v10, v28;
	v40 =	vmax.f32 v16, v37;
	v9 =	vmin.f32 v16, v37  }
0xd4: {  	v4 =	vmul.f32 v39, v2;
	(erf) = vrcp.f32 v3;
	v3 =	vmax.f32 v30, $0.0e+00  }
0xd5: {  	v38 =	vmin.f32 v33, v32;
	v7 =	vmax.f32 v7, v9;
	v3 =	vmul.f32 v3, v2  }
0xd6: {  	v8 =	vmax.f32 v33, v32;
	v42 =	vmax.f32 v29, $0.0e+00;
	v4 =	vadd.f32 $9.999999740e-06, v4  }
0xd7: {  	v41 =	vmax.f32 v5, v38;
	v43 =	vmul.f32 v42, v2;
	v3 =	vadd.f32 $9.999999740e-06, v3  }
0xd8: {  	v5 =	vmin.f32 v5, v38;
	v45 =	vmax.f32 v8, $0.0e+00;
	(erf) = vrcp.f32 v4  }
0xd9: {  	v47 =	vmul.f32 v45, v2;
	v46 =	vpop (erf);
	(erf) = vrcp.f32 v3;
	v3 =	vadd.f32 $9.999999740e-06, v43  }
0xda: {  	v44 =	vmax.f32 v40, v5;
	v5 =	vmin.f32 v40, v5;
	v49 =	vmax.f32 v41, $0.0e+00  }
0xdb: {  	v51 =	vmul.f32 v49, v2;
	v50 =	vpop (erf);
	(erf) = vrcp.f32 v3;
	v3 =	vadd.f32 $9.999999740e-06, v47  }
0xdc: {  	v5 =	vmax.f32 v7, v5;
	v53 =	vmax.f32 v44, $0.0e+00;
	v48 =	vmul.f32 $9.999999740e-06, v46  }
0xdd: {  	v55 =	vmul.f32 v53, v2;
	v54 =	vpop (erf);
	(erf) = vrcp.f32 v3;
	v3 =	vadd.f32 $9.999999740e-06, v51  }
0xde: {  	v5 =	vmax.f32 v5, $0.0e+00;
	v52 =	vmul.f32 $9.999999740e-06, v50;
	v6 =	vadd.f32 $0.0e+00, v48  }
0xdf: {  	v2 =	vmul.f32 v5, v2;
	(erf) = vrcp.f32 v3;
	v3 =	vadd.f32 $9.999999740e-06, v55  }
0xe0: {  	v56 =	vmul.f32 $9.999999740e-06, v54;
	v6 =	vadd.f32 v52, v6  }
0xe1: {  	v2 =	vadd.f32 $9.999999740e-06, v2;
	v58 =	vpop (erf)  }
0xe2: {  	v5 =	vmul.f32 $9.999999740e-06, v58;
	v57 =	vadd.f32 v56, v6;
	(erf) = vrcp.f32 v3  }
0xe3: {  	v3 =	vpop (erf)  }
0xe4: {  	v4 =	vadd.f32 v5, v57;
	(erf) = vrcp.f32 v2;
	v3 =	vmul.f32 $9.999999740e-06, v3  }
0xe5: {  	v2 =	vpop (erf)  }
0xe6: {  	v2 =	vmul.f32 $9.999999740e-06, v2;
	v3 =	vadd.f32 v3, v4  }
0xe7: {  	v59 =	vpop (erf)  }
0xe8: {  	v2 =	vadd.f32 v2, v3;
	v3 =	vmul.f32 $9.999999740e-06, v59  }
0xe9: {  	v60 =	vpop (erf)  }
0xea: {  	v2 =	vadd.f32 v3, v2;
	v3 =	vmul.f32 $9.999999740e-06, v60  }
0xeb: {  	v61 =	vpop (erf)  }
0xec: {  	v2 =	vadd.f32 v3, v2;
	v3 =	vmul.f32 $9.999999740e-06, v61  }
0xed: {  	v62 =	vpop (erf)  }
0xee: {  	v2 =	vadd.f32 v3, v2;
	v3 =	vmul.f32 $9.999999740e-06, v62;
	_ =	sdelay $0x1  }
0xef: {  	v2 =	vadd.f32 v3, v2;
	_ =	sdelay $0x1  }
0xf0: {  	v2 =	vadd.f32 $9.999999740e-06, v2;
	_ =	sdelay $0x1  }
0xf1: {  	v3 =	vshra.s32 v2, $0x1;
	v2 =	vmul.f32 $5.000000000e-01, v2  }
0xf2: {  	v3 =	vsub.s32 $0x5F3759DF, v3  }
0xf3: {  	v63 =	vmul.f32 v3, v2;
	_ =	sdelay $0x1  }
0xf4: {  	v4 =	vmul.f32 v3, v63;
	_ =	sdelay $0x1  }
0xf5: {  	v4 =	vsub.f32 $1.500000000e+00, v4;
	_ =	sdelay $0x1  }
0xf6: {  	v3 =	vmul.f32 v3, v4;
	_ =	sdelay $0x1  }
0xf7: {  	v4 =	vmul.f32 v3, v2;
	_ =	sdelay $0x1  }
0xf8: {  	v4 =	vmul.f32 v4, v3;
	_ =	sdelay $0x1  }
0xf9: {  	v4 =	vsub.f32 $1.500000000e+00, v4;
	_ =	sdelay $0x1  }
0xfa: {  	v3 =	vmul.f32 v4, v3;
	_ =	sdelay $0x1  }
0xfb: {  	v2 =	vmul.f32 v3, v2;
	_ =	sdelay $0x1  }
0xfc: {  	v2 =	vmul.f32 v2, v3;
	_ =	sdelay $0x1  }
0xfd: {  	v2 =	vsub.f32 $1.500000000e+00, v2;
	_ =	sdelay $0x1  }
0xfe: {  	s10 =	sadd.s32 $0x1, s10;
	v2 =	vmul.f32 v2, v3  }
0xff: {  	p0 =	sne.s32 s10, s6  }
.Ltmp2:
0x100: {  	[tilespmem:$0x3090] =	vst v2;
	(pc) =	sbr.rel @p0 .LBB2_1-.Ltmp2, $4  }
0x101: {  	[hbm4b:s5+s2] =	stream.linear.scatter [tilespmem:s9], [sflag:$0x1], $0x20, $0x38;
	[tilespmem:$0x3100] =	vst v63  }
0x102: {  	_ =	swait.ge [sflag:s7], $0x20  }
0x103: {  	[sflag:s7] =	ssyncset.done $0x0  }
0x104: {  	[sflag:s7] =	ssyncadd.s32 $0xFFFFFFE0  }
0x105: {  	_ =	sfence.sel $0x180000  }
0x106: {  	[bflag:$0x0] =	sbarrier.arrive $0xFFFF  }
0x107: {  	p0 =	sne.s32 s0, $0x0;
	_ =	strace $0x90000047  }
0x108: {  	s0 =	sadd.s32 @!p0 $0x100000, s1;
	[bflag:$0x2] =	sbarrier.arrive $0xFFFF  }
0x109: {  	[sflag:s0] =	ssyncadd.tile.s32 @!p0 $0x1;
	_ =	shalt  }
.Lfunc_end2:
_tile_overlayer_lowered:
.L_overlay_start_2:
0x10a: {  	(tag) =	ssettag $0x2  }
0x10b: {  	s0 =	rddreg [dreg:$0x0];
	s2 =	stileid.u32  }
0x10c: {  	s1 =	rddreg [dreg:$0x1];
	p0 =	sne.s32 s2, $0x0  }
0x10d: {  	s3 =	rddreg [dreg:$0x2];
	[bflag:$0x3] =	sbarrier.arrive $0xFFFF;
	s2 =	simm.s32 @!p0 $0x1C01  }
0x10e: {  	[timem:s3], [sflag:s2] =	dma.local @!p0 [hbm:s0], s1  }
0x10f: {  	s0 =	simm.s32 @!p0 $0x1  }
0x110: {  	_ =	swait.ge @!p0 [sflag:s0], s1  }
0x111: {  	s1 =	ssub.s32 @!p0 $0x0, s1;
	[sflag:s0] =	ssyncset.done @!p0 $0x0  }
0x112: {  	[sflag:s0] =	ssyncadd.s32 @!p0 s1  }
0x113: {  	[bflag:$0x3] =	sbarrier.arrive $0xFFFF  }
0x114: {  	_ =	shalt  }

</sc_bundles>
